<compile_context>
chip_gen: v7x
topology: tpu7x:2x2x1
jax: 0.10.2.dev20260603
libtpu: 0.0.44.dev20260713+nightly
codegen_flags: <defaults>
</compile_context>

<pallas_src>
import functools

import jax
import jax.numpy as jnp
from jax import lax
from jax.experimental import pallas as pl
from jax.experimental.pallas import tpu as pltpu
from jax.experimental.pallas import tpu_sc as plsc

VOCAB = 1000000
B = 16384
L = 200
D = 32
HID = 512
NCLS = 1000

NC = 2
NS = 16
NW = NC * NS
BAGS_PER_W = B // NW
G = 4
CHUNK = 100
CPR = G * L // CHUNK
ROUNDS = BAGS_PER_W // G
TEXT_ROWS_PER_ROUND = G * L // CHUNK


PACK_ROWS = 250000
PACK_VB = 25600
PACK_GRID = 40


def _tc_pack_table(table_t):
    R = PACK_VB // 4

    def body(x_ref, o_ref, xt_ref):
        xt_ref[...] = x_ref[...].T
        for q in range(4):
            o_ref[:, q * D:(q + 1) * D] = xt_ref[pl.ds(q, R, 4), :]

    return pl.pallas_call(
        body,
        grid=(PACK_GRID,),
        in_specs=[pl.BlockSpec((D, PACK_VB), lambda i: (0, i))],
        out_specs=pl.BlockSpec((R, 4 * D), lambda i: (i, 0)),
        out_shape=jax.ShapeDtypeStruct((PACK_ROWS, 4 * D), jnp.float32),
        scratch_shapes=[pltpu.VMEM((PACK_VB, D), jnp.float32)],
    )(table_t)


def _sc_embedding_bag(text, emb_table):
    mesh = plsc.VectorSubcoreMesh(core_axis_name="c", subcore_axis_name="s")

    SPLITS = ((0, 104), (104, 96))

    @functools.partial(
        pl.kernel,
        out_type=jax.ShapeDtypeStruct((B, D), jnp.float32),
        mesh=mesh,
        scratch_types=[
            pltpu.VMEM((2, G, L), jnp.int32),
            pltpu.VMEM((2, G, L, D), jnp.float32),
            pltpu.VMEM((BAGS_PER_W, D), jnp.float32),
            pltpu.SemaphoreType.DMA,
            pltpu.SemaphoreType.DMA,
            pltpu.SemaphoreType.DMA,
            pltpu.SemaphoreType.DMA,
        ],
        compiler_params=pltpu.CompilerParams(use_tc_tiling_on_sc=False),
    )
    def body(text_hbm, table_hbm, out_hbm, idx_v, rows_v, emb_v,
             rs0, rs1, is0, is1):
        cid = lax.axis_index("c")
        sid = lax.axis_index("s")
        wid = sid * NC + cid
        rsem = [rs0, rs1]
        isem = [is0, is1]

        out_row0 = wid * BAGS_PER_W

        def idx_src(r):
            return text_hbm.at[pl.ds(out_row0 + r * G, G)]

        def fire_gathers(bank):
            for b in range(G):
                for off, sz in SPLITS:
                    pltpu.async_copy(
                        table_hbm.at[idx_v.at[bank, b, pl.ds(off, sz)]],
                        rows_v.at[bank, b, pl.ds(off, sz)], rsem[bank])

        def drain_gathers(bank):
            for b in range(G):
                for off, sz in SPLITS:
                    pltpu.make_async_copy(
                        table_hbm.at[idx_v.at[bank, b, pl.ds(off, sz)]],
                        rows_v.at[bank, b, pl.ds(off, sz)],
                        rsem[bank]).wait()

        def accumulate(bank, r):
            zero = jnp.zeros((16,), jnp.float32)
            init = (zero,) * (2 * G)

            def acc_row(rr, accs):
                accs = list(accs)
                for b in range(G):
                    for h in range(2):
                        v = rows_v[bank, b, rr, 16 * h:16 * h + 16]
                        accs[2 * b + h] = accs[2 * b + h] + v
                return tuple(accs)

            accs = lax.fori_loop(0, L, acc_row, init, unroll=2)
            for b in range(G):
                emb_v[r * G + b, 0:16] = accs[2 * b] * (1.0 / L)
                emb_v[r * G + b, 16:32] = accs[2 * b + 1] * (1.0 / L)

        def phase(r, a, b):
            @pl.when(r + 1 < ROUNDS)
            def _():
                pltpu.make_async_copy(idx_src(r + 1), idx_v.at[b],
                                      isem[b]).wait()
                fire_gathers(b)
            drain_gathers(a)

            @pl.when(r + 2 < ROUNDS)
            def _():
                pltpu.async_copy(idx_src(r + 2), idx_v.at[a], isem[a])

            accumulate(a, r)

        pltpu.async_copy(idx_src(0), idx_v.at[0], is0).wait()
        fire_gathers(0)
        pltpu.async_copy(idx_src(1), idx_v.at[1], is1)

        def gbody(g, carry):
            phase(2 * g, 0, 1)
            phase(2 * g + 1, 1, 0)
            return carry

        lax.fori_loop(0, ROUNDS // 2, gbody, 0)
        pltpu.sync_copy(emb_v, out_hbm.at[pl.ds(out_row0, BAGS_PER_W)])

    return body(text, emb_table)


def _tc_mlp_t(x, W1, b1, w2t, b2c):
    BT = 2048
    grid = (B // BT,)

    def body(x_ref, w1_ref, b1_ref, w2_ref, b2_ref, o_ref):
        h = jnp.dot(x_ref[...], w1_ref[...],
                    preferred_element_type=jnp.float32) + b1_ref[...]
        h = jnp.maximum(h, 0.0)
        z = lax.dot_general(w2_ref[...], h, (((1,), (1,)), ((), ())),
                            preferred_element_type=jnp.float32)
        z = z + b2_ref[...]
        o_ref[...] = 1.0 / (1.0 + jnp.exp(-z))

    return pl.pallas_call(
        body,
        grid=grid,
        in_specs=[
            pl.BlockSpec((BT, D), lambda i: (i, 0)),
            pl.BlockSpec((D, HID), lambda i: (0, 0)),
            pl.BlockSpec((1, HID), lambda i: (0, 0)),
            pl.BlockSpec((NCLS, HID), lambda i: (0, 0)),
            pl.BlockSpec((NCLS, 1), lambda i: (0, 0)),
        ],
        out_specs=pl.BlockSpec((NCLS, BT), lambda i: (0, i)),
        out_shape=jax.ShapeDtypeStruct((NCLS, B), jnp.float32),
    )(x, W1, b1, w2t, b2c)


def kernel(text, emb_table, W1, b1, W2, b2):
    table_lin = _tc_pack_table(emb_table.T).reshape(VOCAB, D)
    emb = _sc_embedding_bag(text, table_lin)
    out_t = _tc_mlp_t(emb, W1, b1.reshape(1, HID), W2.T,
                      b2.reshape(NCLS, 1))
    return out_t.T

# --- scband reference (transcript-rebuilt; emitter-appended) ---
"""Pipeline reference for scband-fast-text-model-63831803953223 (READ-ONLY COPY).

The authoritative reference and input builder live on the scoring server;
editing this copy changes nothing except your own understanding.
"""

import jax, jax.numpy as jnp
import numpy as np

VOCAB = 1000000
EMBED_DIM = 32
NUM_CLASS = 1000
BATCH = 16384
SEQ_LEN = 200

def setup_inputs(seed: int = 0) -> dict:
    key = jax.random.key(seed)
    k1, k2, k3, k4 = jax.random.split(key, 4)
    text = jax.random.randint(k1, (BATCH, SEQ_LEN), 0, VOCAB, dtype=jnp.int64) if jax.config.jax_enable_x64 else jax.random.randint(k1, (BATCH, SEQ_LEN), 0, VOCAB, dtype=jnp.int32)
    # EmbeddingBag weight init: uniform(-0.5, 0.5)
    emb_table = jax.random.uniform(k2, (VOCAB, EMBED_DIM), dtype=jnp.float32, minval=-0.5, maxval=0.5)
    W1 = jax.random.normal(k3, (EMBED_DIM, 512), dtype=jnp.float32) * (1.0 / np.sqrt(EMBED_DIM))
    b1 = jnp.zeros((512,), dtype=jnp.float32)
    W2 = jax.random.normal(k4, (512, NUM_CLASS), dtype=jnp.float32) * (1.0 / np.sqrt(512))
    b2 = jnp.zeros((NUM_CLASS,), dtype=jnp.float32)
    return {"text": text, "emb_table": emb_table, "W1": W1, "b1": b1, "W2": W2, "b2": b2}

def reference(text, emb_table, W1, b1, W2, b2):
    # nn.EmbeddingBag(mode='mean') with 2D input and offsets=None:
    # each row of `text` is a bag; gather then mean over the sequence axis.
    gathered = jnp.take(emb_table, text, axis=0)          # [B, L, D]
    embedded = jnp.mean(gathered, axis=1)                 # [B, D]
    # feed_forward: Linear(D,512) -> Dropout (identity in eval) -> ReLU -> Linear(512,C) -> Sigmoid
    h = jnp.maximum(embedded @ W1 + b1, 0.0)
    logits = h @ W2 + b2
    return jax.nn.sigmoid(logits)

if __name__ == "__main__":
    import jax
    _d = setup_inputs()
    print(jax.jit(kernel)(*tuple(_d.values())))

</pallas_src>

<mosaic_0001>
#map = affine_map<(d0, d1) -> (0, 0)>
module attributes {stable_mosaic.version = 14 : i64} {
  func.func @body(%arg0: i32, %arg1: i32, %arg2: memref<16384x200xi32, #tpu.memory_space<hbm>>, %arg3: memref<1000000x32xf32, #tpu.memory_space<hbm>>, %arg4: memref<16384x32xf32, #tpu.memory_space<hbm>>, %arg5: memref<2x4x200xi32, #tpu.memory_space<vmem>>, %arg6: memref<2x4x200x32xf32, #tpu.memory_space<vmem>>, %arg7: memref<512x32xf32, #tpu.memory_space<vmem>>, %arg8: memref<!tpu.dma_semaphore, #tpu.memory_space<semaphore_mem>>, %arg9: memref<!tpu.dma_semaphore, #tpu.memory_space<semaphore_mem>>, %arg10: memref<!tpu.dma_semaphore, #tpu.memory_space<semaphore_mem>>, %arg11: memref<!tpu.dma_semaphore, #tpu.memory_space<semaphore_mem>>) attributes {dimension_semantics = [#tpu.dimension_semantics<core_parallel>, #tpu.dimension_semantics<subcore_parallel>], iteration_bounds = array<i64: 2, 16>, scalar_prefetch = 0 : i64, scratch_operands = 7 : i64, tpu.core_type = #tpu.core_type<sc_vector_subcore>, window_params = [{transform_indices = #map}, {transform_indices = #map}, {transform_indices = #map}]} {
    %mul3A = arith.constant 2 : i32
    %mul3A_0 = arith.muli %arg1, %mul3A : i32
    %add3A = arith.addi %mul3A_0, %arg0 : i32
    %mul3A_1 = arith.constant 512 : i32
    %mul3A_2 = arith.muli %add3A, %mul3A_1 : i32
    %add3A_3 = arith.constant 0 : i32
    %add3A_4 = arith.addi %mul3A_2, %add3A_3 : i32
    %dma_start3A = arith.constant 0 : i32
    %dma_start3A_5 = arith.constant 0 : i32
    %dma_start3A_6 = arith.constant 0 : i32
    %dma_start3A_7 = tpu.memref_slice %arg5[%dma_start3A, %dma_start3A_5, %dma_start3A_6] : memref<2x4x200xi32, #tpu.memory_space<vmem>> -> memref<1x4x200xi32, #tpu.memory_space<vmem>>
    %dma_start3A_8 = tpu.memref_squeeze %dma_start3A_7 : memref<1x4x200xi32, #tpu.memory_space<vmem>> -> memref<4x200xi32, #tpu.memory_space<vmem>>
    %dma_start3A_9 = arith.constant 0 : i32
    %dma_start3A_10 = tpu.memref_slice %arg2[%add3A_4, %dma_start3A_9] : memref<16384x200xi32, #tpu.memory_space<hbm>> -> memref<4x200xi32, #tpu.memory_space<hbm>>
    %dma_start3A_11 = arith.constant 0 : i32
    %dma_start3A_12 = arith.constant 0 : i32
    %dma_start3A_13 = tpu.memref_slice %arg5[%dma_start3A, %dma_start3A_11, %dma_start3A_12] : memref<2x4x200xi32, #tpu.memory_space<vmem>> -> memref<1x4x200xi32, #tpu.memory_space<vmem>>
    %dma_start3A_14 = tpu.memref_squeeze %dma_start3A_13 : memref<1x4x200xi32, #tpu.memory_space<vmem>> -> memref<4x200xi32, #tpu.memory_space<vmem>>
    %dma_start3A_15 = arith.constant 0 : i32
    %dma_start3A_16 = tpu.memref_slice %arg2[%add3A_4, %dma_start3A_15] : memref<16384x200xi32, #tpu.memory_space<hbm>> -> memref<4x200xi32, #tpu.memory_space<hbm>>
    tpu.enqueue_dma source(%dma_start3A_16 : memref<4x200xi32, #tpu.memory_space<hbm>>) target(%dma_start3A_14 : memref<4x200xi32, #tpu.memory_space<vmem>>) target_semaphore(%arg10 : memref<!tpu.dma_semaphore, #tpu.memory_space<semaphore_mem>>)
    %dma_wait3A = arith.constant 0 : i32
    %dma_wait3A_17 = arith.constant 0 : i32
    %dma_wait3A_18 = arith.constant 0 : i32
    %dma_wait3A_19 = tpu.memref_slice %arg5[%dma_wait3A, %dma_wait3A_17, %dma_wait3A_18] : memref<2x4x200xi32, #tpu.memory_space<vmem>> -> memref<1x4x200xi32, #tpu.memory_space<vmem>>
    %dma_wait3A_20 = tpu.memref_squeeze %dma_wait3A_19 : memref<1x4x200xi32, #tpu.memory_space<vmem>> -> memref<4x200xi32, #tpu.memory_space<vmem>>
    %dma_wait3A_21 = arith.constant 0 : i32
    %dma_wait3A_22 = tpu.memref_slice %arg2[%add3A_4, %dma_wait3A_21] : memref<16384x200xi32, #tpu.memory_space<hbm>> -> memref<4x200xi32, #tpu.memory_space<hbm>>
    %dma_wait3A_23 = arith.constant 0 : i32
    %dma_wait3A_24 = arith.constant 0 : i32
    %dma_wait3A_25 = tpu.memref_slice %arg5[%dma_wait3A, %dma_wait3A_23, %dma_wait3A_24] : memref<2x4x200xi32, #tpu.memory_space<vmem>> -> memref<1x4x200xi32, #tpu.memory_space<vmem>>
    %dma_wait3A_26 = tpu.memref_squeeze %dma_wait3A_25 : memref<1x4x200xi32, #tpu.memory_space<vmem>> -> memref<4x200xi32, #tpu.memory_space<vmem>>
    %dma_wait3A_27 = arith.constant 0 : i32
    %dma_wait3A_28 = tpu.memref_slice %arg2[%add3A_4, %dma_wait3A_27] : memref<16384x200xi32, #tpu.memory_space<hbm>> -> memref<4x200xi32, #tpu.memory_space<hbm>>
    tpu.wait_dma2 semaphore(%arg10 : memref<!tpu.dma_semaphore, #tpu.memory_space<semaphore_mem>>) src(%dma_wait3A_28 : memref<4x200xi32, #tpu.memory_space<hbm>>) dst(%dma_wait3A_26 : memref<4x200xi32, #tpu.memory_space<vmem>>)
    %dma_start3A_29 = arith.constant 0 : i32
    %dma_start3A_30 = arith.constant 0 : i32
    %dma_start3A_31 = arith.constant 0 : i32
    %dma_start3A_32 = arith.constant 0 : i32
    %dma_start3A_33 = arith.constant 0 : i32
    %dma_start3A_34 = arith.constant 0 : i32
    %dma_start3A_35 = tpu.memref_slice %arg6[%dma_start3A_31, %dma_start3A_32, %dma_start3A_33, %dma_start3A_34] : memref<2x4x200x32xf32, #tpu.memory_space<vmem>> -> memref<1x1x104x32xf32, #tpu.memory_space<vmem>>
    %dma_start3A_36 = tpu.memref_squeeze %dma_start3A_35 : memref<1x1x104x32xf32, #tpu.memory_space<vmem>> -> memref<104x32xf32, #tpu.memory_space<vmem>>
    %dma_start3A_37 = arith.constant 0 : i32
    %dma_start3A_38 = tpu.memref_slice %arg5[%dma_start3A_29, %dma_start3A_30, %dma_start3A_37] : memref<2x4x200xi32, #tpu.memory_space<vmem>> -> memref<1x1x104xi32, #tpu.memory_space<vmem>>
    %dma_start3A_39 = tpu.memref_squeeze %dma_start3A_38 : memref<1x1x104xi32, #tpu.memory_space<vmem>> -> memref<104xi32, #tpu.memory_space<vmem>>
    %dma_start3A_40 = arith.constant 0 : i32
    %dma_start3A_41 = arith.constant 0 : i32
    %dma_start3A_42 = tpu.memref_slice %arg3[%dma_start3A_40, %dma_start3A_41] : memref<1000000x32xf32, #tpu.memory_space<hbm>> -> memref<1000000x32xf32, #tpu.memory_space<hbm>>
    tpu.enqueue_indirect_dma source(%dma_start3A_42 : memref<1000000x32xf32, #tpu.memory_space<hbm>>) target(%dma_start3A_36 : memref<104x32xf32, #tpu.memory_space<vmem>>) offsets(%dma_start3A_39 : memref<104xi32, #tpu.memory_space<vmem>>) semaphore(%arg8 : memref<!tpu.dma_semaphore, #tpu.memory_space<semaphore_mem>>)
    %dma_start3A_43 = arith.constant 0 : i32
    %dma_start3A_44 = arith.constant 0 : i32
    %dma_start3A_45 = arith.constant 0 : i32
    %dma_start3A_46 = arith.constant 0 : i32
    %dma_start3A_47 = arith.constant 104 : i32
    %dma_start3A_48 = arith.constant 0 : i32
    %dma_start3A_49 = tpu.memref_slice %arg6[%dma_start3A_45, %dma_start3A_46, %dma_start3A_47, %dma_start3A_48] : memref<2x4x200x32xf32, #tpu.memory_space<vmem>> -> memref<1x1x96x32xf32, #tpu.memory_space<vmem>>
    %dma_start3A_50 = tpu.memref_squeeze %dma_start3A_49 : memref<1x1x96x32xf32, #tpu.memory_space<vmem>> -> memref<96x32xf32, #tpu.memory_space<vmem>>
    %dma_start3A_51 = arith.constant 104 : i32
    %dma_start3A_52 = tpu.memref_slice %arg5[%dma_start3A_43, %dma_start3A_44, %dma_start3A_51] : memref<2x4x200xi32, #tpu.memory_space<vmem>> -> memref<1x1x96xi32, #tpu.memory_space<vmem>>
    %dma_start3A_53 = tpu.memref_squeeze %dma_start3A_52 : memref<1x1x96xi32, #tpu.memory_space<vmem>> -> memref<96xi32, #tpu.memory_space<vmem>>
    %dma_start3A_54 = arith.constant 0 : i32
    %dma_start3A_55 = arith.constant 0 : i32
    %dma_start3A_56 = tpu.memref_slice %arg3[%dma_start3A_54, %dma_start3A_55] : memref<1000000x32xf32, #tpu.memory_space<hbm>> -> memref<1000000x32xf32, #tpu.memory_space<hbm>>
    tpu.enqueue_indirect_dma source(%dma_start3A_56 : memref<1000000x32xf32, #tpu.memory_space<hbm>>) target(%dma_start3A_50 : memref<96x32xf32, #tpu.memory_space<vmem>>) offsets(%dma_start3A_53 : memref<96xi32, #tpu.memory_space<vmem>>) semaphore(%arg8 : memref<!tpu.dma_semaphore, #tpu.memory_space<semaphore_mem>>)
    %dma_start3A_57 = arith.constant 0 : i32
    %dma_start3A_58 = arith.constant 1 : i32
    %dma_start3A_59 = arith.constant 0 : i32
    %dma_start3A_60 = arith.constant 1 : i32
    %dma_start3A_61 = arith.constant 0 : i32
    %dma_start3A_62 = arith.constant 0 : i32
    %dma_start3A_63 = tpu.memref_slice %arg6[%dma_start3A_59, %dma_start3A_60, %dma_start3A_61, %dma_start3A_62] : memref<2x4x200x32xf32, #tpu.memory_space<vmem>> -> memref<1x1x104x32xf32, #tpu.memory_space<vmem>>
    %dma_start3A_64 = tpu.memref_squeeze %dma_start3A_63 : memref<1x1x104x32xf32, #tpu.memory_space<vmem>> -> memref<104x32xf32, #tpu.memory_space<vmem>>
    %dma_start3A_65 = arith.constant 0 : i32
    %dma_start3A_66 = tpu.memref_slice %arg5[%dma_start3A_57, %dma_start3A_58, %dma_start3A_65] : memref<2x4x200xi32, #tpu.memory_space<vmem>> -> memref<1x1x104xi32, #tpu.memory_space<vmem>>
    %dma_start3A_67 = tpu.memref_squeeze %dma_start3A_66 : memref<1x1x104xi32, #tpu.memory_space<vmem>> -> memref<104xi32, #tpu.memory_space<vmem>>
    %dma_start3A_68 = arith.constant 0 : i32
    %dma_start3A_69 = arith.constant 0 : i32
    %dma_start3A_70 = tpu.memref_slice %arg3[%dma_start3A_68, %dma_start3A_69] : memref<1000000x32xf32, #tpu.memory_space<hbm>> -> memref<1000000x32xf32, #tpu.memory_space<hbm>>
    tpu.enqueue_indirect_dma source(%dma_start3A_70 : memref<1000000x32xf32, #tpu.memory_space<hbm>>) target(%dma_start3A_64 : memref<104x32xf32, #tpu.memory_space<vmem>>) offsets(%dma_start3A_67 : memref<104xi32, #tpu.memory_space<vmem>>) semaphore(%arg8 : memref<!tpu.dma_semaphore, #tpu.memory_space<semaphore_mem>>)
    %dma_start3A_71 = arith.constant 0 : i32
    %dma_start3A_72 = arith.constant 1 : i32
    %dma_start3A_73 = arith.constant 0 : i32
    %dma_start3A_74 = arith.constant 1 : i32
    %dma_start3A_75 = arith.constant 104 : i32
    %dma_start3A_76 = arith.constant 0 : i32
    %dma_start3A_77 = tpu.memref_slice %arg6[%dma_start3A_73, %dma_start3A_74, %dma_start3A_75, %dma_start3A_76] : memref<2x4x200x32xf32, #tpu.memory_space<vmem>> -> memref<1x1x96x32xf32, #tpu.memory_space<vmem>>
    %dma_start3A_78 = tpu.memref_squeeze %dma_start3A_77 : memref<1x1x96x32xf32, #tpu.memory_space<vmem>> -> memref<96x32xf32, #tpu.memory_space<vmem>>
    %dma_start3A_79 = arith.constant 104 : i32
    %dma_start3A_80 = tpu.memref_slice %arg5[%dma_start3A_71, %dma_start3A_72, %dma_start3A_79] : memref<2x4x200xi32, #tpu.memory_space<vmem>> -> memref<1x1x96xi32, #tpu.memory_space<vmem>>
    %dma_start3A_81 = tpu.memref_squeeze %dma_start3A_80 : memref<1x1x96xi32, #tpu.memory_space<vmem>> -> memref<96xi32, #tpu.memory_space<vmem>>
    %dma_start3A_82 = arith.constant 0 : i32
    %dma_start3A_83 = arith.constant 0 : i32
    %dma_start3A_84 = tpu.memref_slice %arg3[%dma_start3A_82, %dma_start3A_83] : memref<1000000x32xf32, #tpu.memory_space<hbm>> -> memref<1000000x32xf32, #tpu.memory_space<hbm>>
    tpu.enqueue_indirect_dma source(%dma_start3A_84 : memref<1000000x32xf32, #tpu.memory_space<hbm>>) target(%dma_start3A_78 : memref<96x32xf32, #tpu.memory_space<vmem>>) offsets(%dma_start3A_81 : memref<96xi32, #tpu.memory_space<vmem>>) semaphore(%arg8 : memref<!tpu.dma_semaphore, #tpu.memory_space<semaphore_mem>>)
    %dma_start3A_85 = arith.constant 0 : i32
    %dma_start3A_86 = arith.constant 2 : i32
    %dma_start3A_87 = arith.constant 0 : i32
    %dma_start3A_88 = arith.constant 2 : i32
    %dma_start3A_89 = arith.constant 0 : i32
    %dma_start3A_90 = arith.constant 0 : i32
    %dma_start3A_91 = tpu.memref_slice %arg6[%dma_start3A_87, %dma_start3A_88, %dma_start3A_89, %dma_start3A_90] : memref<2x4x200x32xf32, #tpu.memory_space<vmem>> -> memref<1x1x104x32xf32, #tpu.memory_space<vmem>>
    %dma_start3A_92 = tpu.memref_squeeze %dma_start3A_91 : memref<1x1x104x32xf32, #tpu.memory_space<vmem>> -> memref<104x32xf32, #tpu.memory_space<vmem>>
    %dma_start3A_93 = arith.constant 0 : i32
    %dma_start3A_94 = tpu.memref_slice %arg5[%dma_start3A_85, %dma_start3A_86, %dma_start3A_93] : memref<2x4x200xi32, #tpu.memory_space<vmem>> -> memref<1x1x104xi32, #tpu.memory_space<vmem>>
    %dma_start3A_95 = tpu.memref_squeeze %dma_start3A_94 : memref<1x1x104xi32, #tpu.memory_space<vmem>> -> memref<104xi32, #tpu.memory_space<vmem>>
    %dma_start3A_96 = arith.constant 0 : i32
    %dma_start3A_97 = arith.constant 0 : i32
    %dma_start3A_98 = tpu.memref_slice %arg3[%dma_start3A_96, %dma_start3A_97] : memref<1000000x32xf32, #tpu.memory_space<hbm>> -> memref<1000000x32xf32, #tpu.memory_space<hbm>>
    tpu.enqueue_indirect_dma source(%dma_start3A_98 : memref<1000000x32xf32, #tpu.memory_space<hbm>>) target(%dma_start3A_92 : memref<104x32xf32, #tpu.memory_space<vmem>>) offsets(%dma_start3A_95 : memref<104xi32, #tpu.memory_space<vmem>>) semaphore(%arg8 : memref<!tpu.dma_semaphore, #tpu.memory_space<semaphore_mem>>)
    %dma_start3A_99 = arith.constant 0 : i32
    %dma_start3A_100 = arith.constant 2 : i32
    %dma_start3A_101 = arith.constant 0 : i32
    %dma_start3A_102 = arith.constant 2 : i32
    %dma_start3A_103 = arith.constant 104 : i32
    %dma_start3A_104 = arith.constant 0 : i32
    %dma_start3A_105 = tpu.memref_slice %arg6[%dma_start3A_101, %dma_start3A_102, %dma_start3A_103, %dma_start3A_104] : memref<2x4x200x32xf32, #tpu.memory_space<vmem>> -> memref<1x1x96x32xf32, #tpu.memory_space<vmem>>
    %dma_start3A_106 = tpu.memref_squeeze %dma_start3A_105 : memref<1x1x96x32xf32, #tpu.memory_space<vmem>> -> memref<96x32xf32, #tpu.memory_space<vmem>>
    %dma_start3A_107 = arith.constant 104 : i32
    %dma_start3A_108 = tpu.memref_slice %arg5[%dma_start3A_99, %dma_start3A_100, %dma_start3A_107] : memref<2x4x200xi32, #tpu.memory_space<vmem>> -> memref<1x1x96xi32, #tpu.memory_space<vmem>>
    %dma_start3A_109 = tpu.memref_squeeze %dma_start3A_108 : memref<1x1x96xi32, #tpu.memory_space<vmem>> -> memref<96xi32, #tpu.memory_space<vmem>>
    %dma_start3A_110 = arith.constant 0 : i32
    %dma_start3A_111 = arith.constant 0 : i32
    %dma_start3A_112 = tpu.memref_slice %arg3[%dma_start3A_110, %dma_start3A_111] : memref<1000000x32xf32, #tpu.memory_space<hbm>> -> memref<1000000x32xf32, #tpu.memory_space<hbm>>
    tpu.enqueue_indirect_dma source(%dma_start3A_112 : memref<1000000x32xf32, #tpu.memory_space<hbm>>) target(%dma_start3A_106 : memref<96x32xf32, #tpu.memory_space<vmem>>) offsets(%dma_start3A_109 : memref<96xi32, #tpu.memory_space<vmem>>) semaphore(%arg8 : memref<!tpu.dma_semaphore, #tpu.memory_space<semaphore_mem>>)
    %dma_start3A_113 = arith.constant 0 : i32
    %dma_start3A_114 = arith.constant 3 : i32
    %dma_start3A_115 = arith.constant 0 : i32
    %dma_start3A_116 = arith.constant 3 : i32
    %dma_start3A_117 = arith.constant 0 : i32
    %dma_start3A_118 = arith.constant 0 : i32
    %dma_start3A_119 = tpu.memref_slice %arg6[%dma_start3A_115, %dma_start3A_116, %dma_start3A_117, %dma_start3A_118] : memref<2x4x200x32xf32, #tpu.memory_space<vmem>> -> memref<1x1x104x32xf32, #tpu.memory_space<vmem>>
    %dma_start3A_120 = tpu.memref_squeeze %dma_start3A_119 : memref<1x1x104x32xf32, #tpu.memory_space<vmem>> -> memref<104x32xf32, #tpu.memory_space<vmem>>
    %dma_start3A_121 = arith.constant 0 : i32
    %dma_start3A_122 = tpu.memref_slice %arg5[%dma_start3A_113, %dma_start3A_114, %dma_start3A_121] : memref<2x4x200xi32, #tpu.memory_space<vmem>> -> memref<1x1x104xi32, #tpu.memory_space<vmem>>
    %dma_start3A_123 = tpu.memref_squeeze %dma_start3A_122 : memref<1x1x104xi32, #tpu.memory_space<vmem>> -> memref<104xi32, #tpu.memory_space<vmem>>
    %dma_start3A_124 = arith.constant 0 : i32
    %dma_start3A_125 = arith.constant 0 : i32
    %dma_start3A_126 = tpu.memref_slice %arg3[%dma_start3A_124, %dma_start3A_125] : memref<1000000x32xf32, #tpu.memory_space<hbm>> -> memref<1000000x32xf32, #tpu.memory_space<hbm>>
    tpu.enqueue_indirect_dma source(%dma_start3A_126 : memref<1000000x32xf32, #tpu.memory_space<hbm>>) target(%dma_start3A_120 : memref<104x32xf32, #tpu.memory_space<vmem>>) offsets(%dma_start3A_123 : memref<104xi32, #tpu.memory_space<vmem>>) semaphore(%arg8 : memref<!tpu.dma_semaphore, #tpu.memory_space<semaphore_mem>>)
    %dma_start3A_127 = arith.constant 0 : i32
    %dma_start3A_128 = arith.constant 3 : i32
    %dma_start3A_129 = arith.constant 0 : i32
    %dma_start3A_130 = arith.constant 3 : i32
    %dma_start3A_131 = arith.constant 104 : i32
    %dma_start3A_132 = arith.constant 0 : i32
    %dma_start3A_133 = tpu.memref_slice %arg6[%dma_start3A_129, %dma_start3A_130, %dma_start3A_131, %dma_start3A_132] : memref<2x4x200x32xf32, #tpu.memory_space<vmem>> -> memref<1x1x96x32xf32, #tpu.memory_space<vmem>>
    %dma_start3A_134 = tpu.memref_squeeze %dma_start3A_133 : memref<1x1x96x32xf32, #tpu.memory_space<vmem>> -> memref<96x32xf32, #tpu.memory_space<vmem>>
    %dma_start3A_135 = arith.constant 104 : i32
    %dma_start3A_136 = tpu.memref_slice %arg5[%dma_start3A_127, %dma_start3A_128, %dma_start3A_135] : memref<2x4x200xi32, #tpu.memory_space<vmem>> -> memref<1x1x96xi32, #tpu.memory_space<vmem>>
    %dma_start3A_137 = tpu.memref_squeeze %dma_start3A_136 : memref<1x1x96xi32, #tpu.memory_space<vmem>> -> memref<96xi32, #tpu.memory_space<vmem>>
    %dma_start3A_138 = arith.constant 0 : i32
    %dma_start3A_139 = arith.constant 0 : i32
    %dma_start3A_140 = tpu.memref_slice %arg3[%dma_start3A_138, %dma_start3A_139] : memref<1000000x32xf32, #tpu.memory_space<hbm>> -> memref<1000000x32xf32, #tpu.memory_space<hbm>>
    tpu.enqueue_indirect_dma source(%dma_start3A_140 : memref<1000000x32xf32, #tpu.memory_space<hbm>>) target(%dma_start3A_134 : memref<96x32xf32, #tpu.memory_space<vmem>>) offsets(%dma_start3A_137 : memref<96xi32, #tpu.memory_space<vmem>>) semaphore(%arg8 : memref<!tpu.dma_semaphore, #tpu.memory_space<semaphore_mem>>)
    %add3A_141 = arith.constant 4 : i32
    %add3A_142 = arith.addi %mul3A_2, %add3A_141 : i32
    %dma_start3A_143 = arith.constant 1 : i32
    %dma_start3A_144 = arith.constant 0 : i32
    %dma_start3A_145 = arith.constant 0 : i32
    %dma_start3A_146 = tpu.memref_slice %arg5[%dma_start3A_143, %dma_start3A_144, %dma_start3A_145] : memref<2x4x200xi32, #tpu.memory_space<vmem>> -> memref<1x4x200xi32, #tpu.memory_space<vmem>>
    %dma_start3A_147 = tpu.memref_squeeze %dma_start3A_146 : memref<1x4x200xi32, #tpu.memory_space<vmem>> -> memref<4x200xi32, #tpu.memory_space<vmem>>
    %dma_start3A_148 = arith.constant 0 : i32
    %dma_start3A_149 = tpu.memref_slice %arg2[%add3A_142, %dma_start3A_148] : memref<16384x200xi32, #tpu.memory_space<hbm>> -> memref<4x200xi32, #tpu.memory_space<hbm>>
    %dma_start3A_150 = arith.constant 0 : i32
    %dma_start3A_151 = arith.constant 0 : i32
    %dma_start3A_152 = tpu.memref_slice %arg5[%dma_start3A_143, %dma_start3A_150, %dma_start3A_151] : memref<2x4x200xi32, #tpu.memory_space<vmem>> -> memref<1x4x200xi32, #tpu.memory_space<vmem>>
    %dma_start3A_153 = tpu.memref_squeeze %dma_start3A_152 : memref<1x4x200xi32, #tpu.memory_space<vmem>> -> memref<4x200xi32, #tpu.memory_space<vmem>>
    %dma_start3A_154 = arith.constant 0 : i32
    %dma_start3A_155 = tpu.memref_slice %arg2[%add3A_142, %dma_start3A_154] : memref<16384x200xi32, #tpu.memory_space<hbm>> -> memref<4x200xi32, #tpu.memory_space<hbm>>
    tpu.enqueue_dma source(%dma_start3A_155 : memref<4x200xi32, #tpu.memory_space<hbm>>) target(%dma_start3A_153 : memref<4x200xi32, #tpu.memory_space<vmem>>) target_semaphore(%arg11 : memref<!tpu.dma_semaphore, #tpu.memory_space<semaphore_mem>>)
    %scan3A = arith.constant 0 : i32
    %scan3A_156 = arith.constant 0 : i32
    %scan3A_157 = arith.constant 64 : i32
    %scan3A_158 = arith.addi %scan3A_156, %scan3A_157 : i32
    %scan3A_159 = arith.constant 1 : i32
    scf.for %scan3A_161 = %scan3A_156 to %scan3A_158 step %scan3A_159  : i32 {
      %mul3A_162 = arith.constant 2 : i32
      %mul3A_163 = arith.muli %mul3A_162, %scan3A_161 : i32
      %add3A_164 = arith.constant 1 : i32
      %add3A_165 = arith.addi %mul3A_163, %add3A_164 : i32
      %lt3A = arith.constant 128 : i32
      %lt3A_166 = arith.cmpi slt, %add3A_165, %lt3A : i32
      %convert_element_type3A = arith.extui %lt3A_166 : i1 to i32
      %cond3A = arith.constant 0 : i32
      %cond3A_167 = arith.cmpi ne, %convert_element_type3A, %cond3A : i32
      scf.if %cond3A_167 {
        %add3A_623 = arith.constant 1 : i32
        %add3A_624 = arith.addi %mul3A_163, %add3A_623 : i32
        %mul3A_625 = arith.constant 4 : i32
        %mul3A_626 = arith.muli %add3A_624, %mul3A_625 : i32
        %add3A_627 = arith.addi %mul3A_2, %mul3A_626 : i32
        %dma_wait3A_628 = arith.constant 1 : i32
        %dma_wait3A_629 = arith.constant 0 : i32
        %dma_wait3A_630 = arith.constant 0 : i32
        %dma_wait3A_631 = tpu.memref_slice %arg5[%dma_wait3A_628, %dma_wait3A_629, %dma_wait3A_630] : memref<2x4x200xi32, #tpu.memory_space<vmem>> -> memref<1x4x200xi32, #tpu.memory_space<vmem>>
        %dma_wait3A_632 = tpu.memref_squeeze %dma_wait3A_631 : memref<1x4x200xi32, #tpu.memory_space<vmem>> -> memref<4x200xi32, #tpu.memory_space<vmem>>
        %dma_wait3A_633 = arith.constant 0 : i32
        %dma_wait3A_634 = tpu.memref_slice %arg2[%add3A_627, %dma_wait3A_633] : memref<16384x200xi32, #tpu.memory_space<hbm>> -> memref<4x200xi32, #tpu.memory_space<hbm>>
        %dma_wait3A_635 = arith.constant 0 : i32
        %dma_wait3A_636 = arith.constant 0 : i32
        %dma_wait3A_637 = tpu.memref_slice %arg5[%dma_wait3A_628, %dma_wait3A_635, %dma_wait3A_636] : memref<2x4x200xi32, #tpu.memory_space<vmem>> -> memref<1x4x200xi32, #tpu.memory_space<vmem>>
        %dma_wait3A_638 = tpu.memref_squeeze %dma_wait3A_637 : memref<1x4x200xi32, #tpu.memory_space<vmem>> -> memref<4x200xi32, #tpu.memory_space<vmem>>
        %dma_wait3A_639 = arith.constant 0 : i32
        %dma_wait3A_640 = tpu.memref_slice %arg2[%add3A_627, %dma_wait3A_639] : memref<16384x200xi32, #tpu.memory_space<hbm>> -> memref<4x200xi32, #tpu.memory_space<hbm>>
        tpu.wait_dma2 semaphore(%arg11 : memref<!tpu.dma_semaphore, #tpu.memory_space<semaphore_mem>>) src(%dma_wait3A_640 : memref<4x200xi32, #tpu.memory_space<hbm>>) dst(%dma_wait3A_638 : memref<4x200xi32, #tpu.memory_space<vmem>>)
        %dma_start3A_641 = arith.constant 1 : i32
        %dma_start3A_642 = arith.constant 0 : i32
        %dma_start3A_643 = arith.constant 1 : i32
        %dma_start3A_644 = arith.constant 0 : i32
        %dma_start3A_645 = arith.constant 0 : i32
        %dma_start3A_646 = arith.constant 0 : i32
        %dma_start3A_647 = tpu.memref_slice %arg6[%dma_start3A_643, %dma_start3A_644, %dma_start3A_645, %dma_start3A_646] : memref<2x4x200x32xf32, #tpu.memory_space<vmem>> -> memref<1x1x104x32xf32, #tpu.memory_space<vmem>>
        %dma_start3A_648 = tpu.memref_squeeze %dma_start3A_647 : memref<1x1x104x32xf32, #tpu.memory_space<vmem>> -> memref<104x32xf32, #tpu.memory_space<vmem>>
        %dma_start3A_649 = arith.constant 0 : i32
        %dma_start3A_650 = tpu.memref_slice %arg5[%dma_start3A_641, %dma_start3A_642, %dma_start3A_649] : memref<2x4x200xi32, #tpu.memory_space<vmem>> -> memref<1x1x104xi32, #tpu.memory_space<vmem>>
        %dma_start3A_651 = tpu.memref_squeeze %dma_start3A_650 : memref<1x1x104xi32, #tpu.memory_space<vmem>> -> memref<104xi32, #tpu.memory_space<vmem>>
        %dma_start3A_652 = arith.constant 0 : i32
        %dma_start3A_653 = arith.constant 0 : i32
        %dma_start3A_654 = tpu.memref_slice %arg3[%dma_start3A_652, %dma_start3A_653] : memref<1000000x32xf32, #tpu.memory_space<hbm>> -> memref<1000000x32xf32, #tpu.memory_space<hbm>>
        tpu.enqueue_indirect_dma source(%dma_start3A_654 : memref<1000000x32xf32, #tpu.memory_space<hbm>>) target(%dma_start3A_648 : memref<104x32xf32, #tpu.memory_space<vmem>>) offsets(%dma_start3A_651 : memref<104xi32, #tpu.memory_space<vmem>>) semaphore(%arg9 : memref<!tpu.dma_semaphore, #tpu.memory_space<semaphore_mem>>)
        %dma_start3A_655 = arith.constant 1 : i32
        %dma_start3A_656 = arith.constant 0 : i32
        %dma_start3A_657 = arith.constant 1 : i32
        %dma_start3A_658 = arith.constant 0 : i32
        %dma_start3A_659 = arith.constant 104 : i32
        %dma_start3A_660 = arith.constant 0 : i32
        %dma_start3A_661 = tpu.memref_slice %arg6[%dma_start3A_657, %dma_start3A_658, %dma_start3A_659, %dma_start3A_660] : memref<2x4x200x32xf32, #tpu.memory_space<vmem>> -> memref<1x1x96x32xf32, #tpu.memory_space<vmem>>
        %dma_start3A_662 = tpu.memref_squeeze %dma_start3A_661 : memref<1x1x96x32xf32, #tpu.memory_space<vmem>> -> memref<96x32xf32, #tpu.memory_space<vmem>>
        %dma_start3A_663 = arith.constant 104 : i32
        %dma_start3A_664 = tpu.memref_slice %arg5[%dma_start3A_655, %dma_start3A_656, %dma_start3A_663] : memref<2x4x200xi32, #tpu.memory_space<vmem>> -> memref<1x1x96xi32, #tpu.memory_space<vmem>>
        %dma_start3A_665 = tpu.memref_squeeze %dma_start3A_664 : memref<1x1x96xi32, #tpu.memory_space<vmem>> -> memref<96xi32, #tpu.memory_space<vmem>>
        %dma_start3A_666 = arith.constant 0 : i32
        %dma_start3A_667 = arith.constant 0 : i32
        %dma_start3A_668 = tpu.memref_slice %arg3[%dma_start3A_666, %dma_start3A_667] : memref<1000000x32xf32, #tpu.memory_space<hbm>> -> memref<1000000x32xf32, #tpu.memory_space<hbm>>
        tpu.enqueue_indirect_dma source(%dma_start3A_668 : memref<1000000x32xf32, #tpu.memory_space<hbm>>) target(%dma_start3A_662 : memref<96x32xf32, #tpu.memory_space<vmem>>) offsets(%dma_start3A_665 : memref<96xi32, #tpu.memory_space<vmem>>) semaphore(%arg9 : memref<!tpu.dma_semaphore, #tpu.memory_space<semaphore_mem>>)
        %dma_start3A_669 = arith.constant 1 : i32
        %dma_start3A_670 = arith.constant 1 : i32
        %dma_start3A_671 = arith.constant 1 : i32
        %dma_start3A_672 = arith.constant 1 : i32
        %dma_start3A_673 = arith.constant 0 : i32
        %dma_start3A_674 = arith.constant 0 : i32
        %dma_start3A_675 = tpu.memref_slice %arg6[%dma_start3A_671, %dma_start3A_672, %dma_start3A_673, %dma_start3A_674] : memref<2x4x200x32xf32, #tpu.memory_space<vmem>> -> memref<1x1x104x32xf32, #tpu.memory_space<vmem>>
        %dma_start3A_676 = tpu.memref_squeeze %dma_start3A_675 : memref<1x1x104x32xf32, #tpu.memory_space<vmem>> -> memref<104x32xf32, #tpu.memory_space<vmem>>
        %dma_start3A_677 = arith.constant 0 : i32
        %dma_start3A_678 = tpu.memref_slice %arg5[%dma_start3A_669, %dma_start3A_670, %dma_start3A_677] : memref<2x4x200xi32, #tpu.memory_space<vmem>> -> memref<1x1x104xi32, #tpu.memory_space<vmem>>
        %dma_start3A_679 = tpu.memref_squeeze %dma_start3A_678 : memref<1x1x104xi32, #tpu.memory_space<vmem>> -> memref<104xi32, #tpu.memory_space<vmem>>
        %dma_start3A_680 = arith.constant 0 : i32
        %dma_start3A_681 = arith.constant 0 : i32
        %dma_start3A_682 = tpu.memref_slice %arg3[%dma_start3A_680, %dma_start3A_681] : memref<1000000x32xf32, #tpu.memory_space<hbm>> -> memref<1000000x32xf32, #tpu.memory_space<hbm>>
        tpu.enqueue_indirect_dma source(%dma_start3A_682 : memref<1000000x32xf32, #tpu.memory_space<hbm>>) target(%dma_start3A_676 : memref<104x32xf32, #tpu.memory_space<vmem>>) offsets(%dma_start3A_679 : memref<104xi32, #tpu.memory_space<vmem>>) semaphore(%arg9 : memref<!tpu.dma_semaphore, #tpu.memory_space<semaphore_mem>>)
        %dma_start3A_683 = arith.constant 1 : i32
        %dma_start3A_684 = arith.constant 1 : i32
        %dma_start3A_685 = arith.constant 1 : i32
        %dma_start3A_686 = arith.constant 1 : i32
        %dma_start3A_687 = arith.constant 104 : i32
        %dma_start3A_688 = arith.constant 0 : i32
        %dma_start3A_689 = tpu.memref_slice %arg6[%dma_start3A_685, %dma_start3A_686, %dma_start3A_687, %dma_start3A_688] : memref<2x4x200x32xf32, #tpu.memory_space<vmem>> -> memref<1x1x96x32xf32, #tpu.memory_space<vmem>>
        %dma_start3A_690 = tpu.memref_squeeze %dma_start3A_689 : memref<1x1x96x32xf32, #tpu.memory_space<vmem>> -> memref<96x32xf32, #tpu.memory_space<vmem>>
        %dma_start3A_691 = arith.constant 104 : i32
        %dma_start3A_692 = tpu.memref_slice %arg5[%dma_start3A_683, %dma_start3A_684, %dma_start3A_691] : memref<2x4x200xi32, #tpu.memory_space<vmem>> -> memref<1x1x96xi32, #tpu.memory_space<vmem>>
        %dma_start3A_693 = tpu.memref_squeeze %dma_start3A_692 : memref<1x1x96xi32, #tpu.memory_space<vmem>> -> memref<96xi32, #tpu.memory_space<vmem>>
        %dma_start3A_694 = arith.constant 0 : i32
        %dma_start3A_695 = arith.constant 0 : i32
        %dma_start3A_696 = tpu.memref_slice %arg3[%dma_start3A_694, %dma_start3A_695] : memref<1000000x32xf32, #tpu.memory_space<hbm>> -> memref<1000000x32xf32, #tpu.memory_space<hbm>>
        tpu.enqueue_indirect_dma source(%dma_start3A_696 : memref<1000000x32xf32, #tpu.memory_space<hbm>>) target(%dma_start3A_690 : memref<96x32xf32, #tpu.memory_space<vmem>>) offsets(%dma_start3A_693 : memref<96xi32, #tpu.memory_space<vmem>>) semaphore(%arg9 : memref<!tpu.dma_semaphore, #tpu.memory_space<semaphore_mem>>)
        %dma_start3A_697 = arith.constant 1 : i32
        %dma_start3A_698 = arith.constant 2 : i32
        %dma_start3A_699 = arith.constant 1 : i32
        %dma_start3A_700 = arith.constant 2 : i32
        %dma_start3A_701 = arith.constant 0 : i32
        %dma_start3A_702 = arith.constant 0 : i32
        %dma_start3A_703 = tpu.memref_slice %arg6[%dma_start3A_699, %dma_start3A_700, %dma_start3A_701, %dma_start3A_702] : memref<2x4x200x32xf32, #tpu.memory_space<vmem>> -> memref<1x1x104x32xf32, #tpu.memory_space<vmem>>
        %dma_start3A_704 = tpu.memref_squeeze %dma_start3A_703 : memref<1x1x104x32xf32, #tpu.memory_space<vmem>> -> memref<104x32xf32, #tpu.memory_space<vmem>>
        %dma_start3A_705 = arith.constant 0 : i32
        %dma_start3A_706 = tpu.memref_slice %arg5[%dma_start3A_697, %dma_start3A_698, %dma_start3A_705] : memref<2x4x200xi32, #tpu.memory_space<vmem>> -> memref<1x1x104xi32, #tpu.memory_space<vmem>>
        %dma_start3A_707 = tpu.memref_squeeze %dma_start3A_706 : memref<1x1x104xi32, #tpu.memory_space<vmem>> -> memref<104xi32, #tpu.memory_space<vmem>>
        %dma_start3A_708 = arith.constant 0 : i32
        %dma_start3A_709 = arith.constant 0 : i32
        %dma_start3A_710 = tpu.memref_slice %arg3[%dma_start3A_708, %dma_start3A_709] : memref<1000000x32xf32, #tpu.memory_space<hbm>> -> memref<1000000x32xf32, #tpu.memory_space<hbm>>
        tpu.enqueue_indirect_dma source(%dma_start3A_710 : memref<1000000x32xf32, #tpu.memory_space<hbm>>) target(%dma_start3A_704 : memref<104x32xf32, #tpu.memory_space<vmem>>) offsets(%dma_start3A_707 : memref<104xi32, #tpu.memory_space<vmem>>) semaphore(%arg9 : memref<!tpu.dma_semaphore, #tpu.memory_space<semaphore_mem>>)
        %dma_start3A_711 = arith.constant 1 : i32
        %dma_start3A_712 = arith.constant 2 : i32
        %dma_start3A_713 = arith.constant 1 : i32
        %dma_start3A_714 = arith.constant 2 : i32
        %dma_start3A_715 = arith.constant 104 : i32
        %dma_start3A_716 = arith.constant 0 : i32
        %dma_start3A_717 = tpu.memref_slice %arg6[%dma_start3A_713, %dma_start3A_714, %dma_start3A_715, %dma_start3A_716] : memref<2x4x200x32xf32, #tpu.memory_space<vmem>> -> memref<1x1x96x32xf32, #tpu.memory_space<vmem>>
        %dma_start3A_718 = tpu.memref_squeeze %dma_start3A_717 : memref<1x1x96x32xf32, #tpu.memory_space<vmem>> -> memref<96x32xf32, #tpu.memory_space<vmem>>
        %dma_start3A_719 = arith.constant 104 : i32
        %dma_start3A_720 = tpu.memref_slice %arg5[%dma_start3A_711, %dma_start3A_712, %dma_start3A_719] : memref<2x4x200xi32, #tpu.memory_space<vmem>> -> memref<1x1x96xi32, #tpu.memory_space<vmem>>
        %dma_start3A_721 = tpu.memref_squeeze %dma_start3A_720 : memref<1x1x96xi32, #tpu.memory_space<vmem>> -> memref<96xi32, #tpu.memory_space<vmem>>
        %dma_start3A_722 = arith.constant 0 : i32
        %dma_start3A_723 = arith.constant 0 : i32
        %dma_start3A_724 = tpu.memref_slice %arg3[%dma_start3A_722, %dma_start3A_723] : memref<1000000x32xf32, #tpu.memory_space<hbm>> -> memref<1000000x32xf32, #tpu.memory_space<hbm>>
        tpu.enqueue_indirect_dma source(%dma_start3A_724 : memref<1000000x32xf32, #tpu.memory_space<hbm>>) target(%dma_start3A_718 : memref<96x32xf32, #tpu.memory_space<vmem>>) offsets(%dma_start3A_721 : memref<96xi32, #tpu.memory_space<vmem>>) semaphore(%arg9 : memref<!tpu.dma_semaphore, #tpu.memory_space<semaphore_mem>>)
        %dma_start3A_725 = arith.constant 1 : i32
        %dma_start3A_726 = arith.constant 3 : i32
        %dma_start3A_727 = arith.constant 1 : i32
        %dma_start3A_728 = arith.constant 3 : i32
        %dma_start3A_729 = arith.constant 0 : i32
        %dma_start3A_730 = arith.constant 0 : i32
        %dma_start3A_731 = tpu.memref_slice %arg6[%dma_start3A_727, %dma_start3A_728, %dma_start3A_729, %dma_start3A_730] : memref<2x4x200x32xf32, #tpu.memory_space<vmem>> -> memref<1x1x104x32xf32, #tpu.memory_space<vmem>>
        %dma_start3A_732 = tpu.memref_squeeze %dma_start3A_731 : memref<1x1x104x32xf32, #tpu.memory_space<vmem>> -> memref<104x32xf32, #tpu.memory_space<vmem>>
        %dma_start3A_733 = arith.constant 0 : i32
        %dma_start3A_734 = tpu.memref_slice %arg5[%dma_start3A_725, %dma_start3A_726, %dma_start3A_733] : memref<2x4x200xi32, #tpu.memory_space<vmem>> -> memref<1x1x104xi32, #tpu.memory_space<vmem>>
        %dma_start3A_735 = tpu.memref_squeeze %dma_start3A_734 : memref<1x1x104xi32, #tpu.memory_space<vmem>> -> memref<104xi32, #tpu.memory_space<vmem>>
        %dma_start3A_736 = arith.constant 0 : i32
        %dma_start3A_737 = arith.constant 0 : i32
        %dma_start3A_738 = tpu.memref_slice %arg3[%dma_start3A_736, %dma_start3A_737] : memref<1000000x32xf32, #tpu.memory_space<hbm>> -> memref<1000000x32xf32, #tpu.memory_space<hbm>>
        tpu.enqueue_indirect_dma source(%dma_start3A_738 : memref<1000000x32xf32, #tpu.memory_space<hbm>>) target(%dma_start3A_732 : memref<104x32xf32, #tpu.memory_space<vmem>>) offsets(%dma_start3A_735 : memref<104xi32, #tpu.memory_space<vmem>>) semaphore(%arg9 : memref<!tpu.dma_semaphore, #tpu.memory_space<semaphore_mem>>)
        %dma_start3A_739 = arith.constant 1 : i32
        %dma_start3A_740 = arith.constant 3 : i32
        %dma_start3A_741 = arith.constant 1 : i32
        %dma_start3A_742 = arith.constant 3 : i32
        %dma_start3A_743 = arith.constant 104 : i32
        %dma_start3A_744 = arith.constant 0 : i32
        %dma_start3A_745 = tpu.memref_slice %arg6[%dma_start3A_741, %dma_start3A_742, %dma_start3A_743, %dma_start3A_744] : memref<2x4x200x32xf32, #tpu.memory_space<vmem>> -> memref<1x1x96x32xf32, #tpu.memory_space<vmem>>
        %dma_start3A_746 = tpu.memref_squeeze %dma_start3A_745 : memref<1x1x96x32xf32, #tpu.memory_space<vmem>> -> memref<96x32xf32, #tpu.memory_space<vmem>>
        %dma_start3A_747 = arith.constant 104 : i32
        %dma_start3A_748 = tpu.memref_slice %arg5[%dma_start3A_739, %dma_start3A_740, %dma_start3A_747] : memref<2x4x200xi32, #tpu.memory_space<vmem>> -> memref<1x1x96xi32, #tpu.memory_space<vmem>>
        %dma_start3A_749 = tpu.memref_squeeze %dma_start3A_748 : memref<1x1x96xi32, #tpu.memory_space<vmem>> -> memref<96xi32, #tpu.memory_space<vmem>>
        %dma_start3A_750 = arith.constant 0 : i32
        %dma_start3A_751 = arith.constant 0 : i32
        %dma_start3A_752 = tpu.memref_slice %arg3[%dma_start3A_750, %dma_start3A_751] : memref<1000000x32xf32, #tpu.memory_space<hbm>> -> memref<1000000x32xf32, #tpu.memory_space<hbm>>
        tpu.enqueue_indirect_dma source(%dma_start3A_752 : memref<1000000x32xf32, #tpu.memory_space<hbm>>) target(%dma_start3A_746 : memref<96x32xf32, #tpu.memory_space<vmem>>) offsets(%dma_start3A_749 : memref<96xi32, #tpu.memory_space<vmem>>) semaphore(%arg9 : memref<!tpu.dma_semaphore, #tpu.memory_space<semaphore_mem>>)
      } else {
      }
      %dma_wait3A_168 = arith.constant 0 : i32
      %dma_wait3A_169 = arith.constant 0 : i32
      %dma_wait3A_170 = arith.constant 0 : i32
      %dma_wait3A_171 = arith.constant 0 : i32
      %dma_wait3A_172 = arith.constant 0 : i32
      %dma_wait3A_173 = arith.constant 0 : i32
      %dma_wait3A_174 = tpu.memref_slice %arg6[%dma_wait3A_170, %dma_wait3A_171, %dma_wait3A_172, %dma_wait3A_173] : memref<2x4x200x32xf32, #tpu.memory_space<vmem>> -> memref<1x1x104x32xf32, #tpu.memory_space<vmem>>
      %dma_wait3A_175 = tpu.memref_squeeze %dma_wait3A_174 : memref<1x1x104x32xf32, #tpu.memory_space<vmem>> -> memref<104x32xf32, #tpu.memory_space<vmem>>
      %dma_wait3A_176 = arith.constant 0 : i32
      %dma_wait3A_177 = tpu.memref_slice %arg5[%dma_wait3A_168, %dma_wait3A_169, %dma_wait3A_176] : memref<2x4x200xi32, #tpu.memory_space<vmem>> -> memref<1x1x104xi32, #tpu.memory_space<vmem>>
      %dma_wait3A_178 = tpu.memref_squeeze %dma_wait3A_177 : memref<1x1x104xi32, #tpu.memory_space<vmem>> -> memref<104xi32, #tpu.memory_space<vmem>>
      %dma_wait3A_179 = arith.constant 0 : i32
      %dma_wait3A_180 = arith.constant 0 : i32
      %dma_wait3A_181 = tpu.memref_slice %arg3[%dma_wait3A_179, %dma_wait3A_180] : memref<1000000x32xf32, #tpu.memory_space<hbm>> -> memref<1000000x32xf32, #tpu.memory_space<hbm>>
      tpu.wait_indirect_dma semaphore(%arg8 : memref<!tpu.dma_semaphore, #tpu.memory_space<semaphore_mem>>) src(%dma_wait3A_181 : memref<1000000x32xf32, #tpu.memory_space<hbm>>) dst(%dma_wait3A_175 : memref<104x32xf32, #tpu.memory_space<vmem>>)
      %dma_wait3A_182 = arith.constant 0 : i32
      %dma_wait3A_183 = arith.constant 0 : i32
      %dma_wait3A_184 = arith.constant 0 : i32
      %dma_wait3A_185 = arith.constant 0 : i32
      %dma_wait3A_186 = arith.constant 104 : i32
      %dma_wait3A_187 = arith.constant 0 : i32
      %dma_wait3A_188 = tpu.memref_slice %arg6[%dma_wait3A_184, %dma_wait3A_185, %dma_wait3A_186, %dma_wait3A_187] : memref<2x4x200x32xf32, #tpu.memory_space<vmem>> -> memref<1x1x96x32xf32, #tpu.memory_space<vmem>>
      %dma_wait3A_189 = tpu.memref_squeeze %dma_wait3A_188 : memref<1x1x96x32xf32, #tpu.memory_space<vmem>> -> memref<96x32xf32, #tpu.memory_space<vmem>>
      %dma_wait3A_190 = arith.constant 104 : i32
      %dma_wait3A_191 = tpu.memref_slice %arg5[%dma_wait3A_182, %dma_wait3A_183, %dma_wait3A_190] : memref<2x4x200xi32, #tpu.memory_space<vmem>> -> memref<1x1x96xi32, #tpu.memory_space<vmem>>
      %dma_wait3A_192 = tpu.memref_squeeze %dma_wait3A_191 : memref<1x1x96xi32, #tpu.memory_space<vmem>> -> memref<96xi32, #tpu.memory_space<vmem>>
      %dma_wait3A_193 = arith.constant 0 : i32
      %dma_wait3A_194 = arith.constant 0 : i32
      %dma_wait3A_195 = tpu.memref_slice %arg3[%dma_wait3A_193, %dma_wait3A_194] : memref<1000000x32xf32, #tpu.memory_space<hbm>> -> memref<1000000x32xf32, #tpu.memory_space<hbm>>
      tpu.wait_indirect_dma semaphore(%arg8 : memref<!tpu.dma_semaphore, #tpu.memory_space<semaphore_mem>>) src(%dma_wait3A_195 : memref<1000000x32xf32, #tpu.memory_space<hbm>>) dst(%dma_wait3A_189 : memref<96x32xf32, #tpu.memory_space<vmem>>)
      %dma_wait3A_196 = arith.constant 0 : i32
      %dma_wait3A_197 = arith.constant 1 : i32
      %dma_wait3A_198 = arith.constant 0 : i32
      %dma_wait3A_199 = arith.constant 1 : i32
      %dma_wait3A_200 = arith.constant 0 : i32
      %dma_wait3A_201 = arith.constant 0 : i32
      %dma_wait3A_202 = tpu.memref_slice %arg6[%dma_wait3A_198, %dma_wait3A_199, %dma_wait3A_200, %dma_wait3A_201] : memref<2x4x200x32xf32, #tpu.memory_space<vmem>> -> memref<1x1x104x32xf32, #tpu.memory_space<vmem>>
      %dma_wait3A_203 = tpu.memref_squeeze %dma_wait3A_202 : memref<1x1x104x32xf32, #tpu.memory_space<vmem>> -> memref<104x32xf32, #tpu.memory_space<vmem>>
      %dma_wait3A_204 = arith.constant 0 : i32
      %dma_wait3A_205 = tpu.memref_slice %arg5[%dma_wait3A_196, %dma_wait3A_197, %dma_wait3A_204] : memref<2x4x200xi32, #tpu.memory_space<vmem>> -> memref<1x1x104xi32, #tpu.memory_space<vmem>>
      %dma_wait3A_206 = tpu.memref_squeeze %dma_wait3A_205 : memref<1x1x104xi32, #tpu.memory_space<vmem>> -> memref<104xi32, #tpu.memory_space<vmem>>
      %dma_wait3A_207 = arith.constant 0 : i32
      %dma_wait3A_208 = arith.constant 0 : i32
      %dma_wait3A_209 = tpu.memref_slice %arg3[%dma_wait3A_207, %dma_wait3A_208] : memref<1000000x32xf32, #tpu.memory_space<hbm>> -> memref<1000000x32xf32, #tpu.memory_space<hbm>>
      tpu.wait_indirect_dma semaphore(%arg8 : memref<!tpu.dma_semaphore, #tpu.memory_space<semaphore_mem>>) src(%dma_wait3A_209 : memref<1000000x32xf32, #tpu.memory_space<hbm>>) dst(%dma_wait3A_203 : memref<104x32xf32, #tpu.memory_space<vmem>>)
      %dma_wait3A_210 = arith.constant 0 : i32
      %dma_wait3A_211 = arith.constant 1 : i32
      %dma_wait3A_212 = arith.constant 0 : i32
      %dma_wait3A_213 = arith.constant 1 : i32
      %dma_wait3A_214 = arith.constant 104 : i32
      %dma_wait3A_215 = arith.constant 0 : i32
      %dma_wait3A_216 = tpu.memref_slice %arg6[%dma_wait3A_212, %dma_wait3A_213, %dma_wait3A_214, %dma_wait3A_215] : memref<2x4x200x32xf32, #tpu.memory_space<vmem>> -> memref<1x1x96x32xf32, #tpu.memory_space<vmem>>
      %dma_wait3A_217 = tpu.memref_squeeze %dma_wait3A_216 : memref<1x1x96x32xf32, #tpu.memory_space<vmem>> -> memref<96x32xf32, #tpu.memory_space<vmem>>
      %dma_wait3A_218 = arith.constant 104 : i32
      %dma_wait3A_219 = tpu.memref_slice %arg5[%dma_wait3A_210, %dma_wait3A_211, %dma_wait3A_218] : memref<2x4x200xi32, #tpu.memory_space<vmem>> -> memref<1x1x96xi32, #tpu.memory_space<vmem>>
      %dma_wait3A_220 = tpu.memref_squeeze %dma_wait3A_219 : memref<1x1x96xi32, #tpu.memory_space<vmem>> -> memref<96xi32, #tpu.memory_space<vmem>>
      %dma_wait3A_221 = arith.constant 0 : i32
      %dma_wait3A_222 = arith.constant 0 : i32
      %dma_wait3A_223 = tpu.memref_slice %arg3[%dma_wait3A_221, %dma_wait3A_222] : memref<1000000x32xf32, #tpu.memory_space<hbm>> -> memref<1000000x32xf32, #tpu.memory_space<hbm>>
      tpu.wait_indirect_dma semaphore(%arg8 : memref<!tpu.dma_semaphore, #tpu.memory_space<semaphore_mem>>) src(%dma_wait3A_223 : memref<1000000x32xf32, #tpu.memory_space<hbm>>) dst(%dma_wait3A_217 : memref<96x32xf32, #tpu.memory_space<vmem>>)
      %dma_wait3A_224 = arith.constant 0 : i32
      %dma_wait3A_225 = arith.constant 2 : i32
      %dma_wait3A_226 = arith.constant 0 : i32
      %dma_wait3A_227 = arith.constant 2 : i32
      %dma_wait3A_228 = arith.constant 0 : i32
      %dma_wait3A_229 = arith.constant 0 : i32
      %dma_wait3A_230 = tpu.memref_slice %arg6[%dma_wait3A_226, %dma_wait3A_227, %dma_wait3A_228, %dma_wait3A_229] : memref<2x4x200x32xf32, #tpu.memory_space<vmem>> -> memref<1x1x104x32xf32, #tpu.memory_space<vmem>>
      %dma_wait3A_231 = tpu.memref_squeeze %dma_wait3A_230 : memref<1x1x104x32xf32, #tpu.memory_space<vmem>> -> memref<104x32xf32, #tpu.memory_space<vmem>>
      %dma_wait3A_232 = arith.constant 0 : i32
      %dma_wait3A_233 = tpu.memref_slice %arg5[%dma_wait3A_224, %dma_wait3A_225, %dma_wait3A_232] : memref<2x4x200xi32, #tpu.memory_space<vmem>> -> memref<1x1x104xi32, #tpu.memory_space<vmem>>
      %dma_wait3A_234 = tpu.memref_squeeze %dma_wait3A_233 : memref<1x1x104xi32, #tpu.memory_space<vmem>> -> memref<104xi32, #tpu.memory_space<vmem>>
      %dma_wait3A_235 = arith.constant 0 : i32
      %dma_wait3A_236 = arith.constant 0 : i32
      %dma_wait3A_237 = tpu.memref_slice %arg3[%dma_wait3A_235, %dma_wait3A_236] : memref<1000000x32xf32, #tpu.memory_space<hbm>> -> memref<1000000x32xf32, #tpu.memory_space<hbm>>
      tpu.wait_indirect_dma semaphore(%arg8 : memref<!tpu.dma_semaphore, #tpu.memory_space<semaphore_mem>>) src(%dma_wait3A_237 : memref<1000000x32xf32, #tpu.memory_space<hbm>>) dst(%dma_wait3A_231 : memref<104x32xf32, #tpu.memory_space<vmem>>)
      %dma_wait3A_238 = arith.constant 0 : i32
      %dma_wait3A_239 = arith.constant 2 : i32
      %dma_wait3A_240 = arith.constant 0 : i32
      %dma_wait3A_241 = arith.constant 2 : i32
      %dma_wait3A_242 = arith.constant 104 : i32
      %dma_wait3A_243 = arith.constant 0 : i32
      %dma_wait3A_244 = tpu.memref_slice %arg6[%dma_wait3A_240, %dma_wait3A_241, %dma_wait3A_242, %dma_wait3A_243] : memref<2x4x200x32xf32, #tpu.memory_space<vmem>> -> memref<1x1x96x32xf32, #tpu.memory_space<vmem>>
      %dma_wait3A_245 = tpu.memref_squeeze %dma_wait3A_244 : memref<1x1x96x32xf32, #tpu.memory_space<vmem>> -> memref<96x32xf32, #tpu.memory_space<vmem>>
      %dma_wait3A_246 = arith.constant 104 : i32
      %dma_wait3A_247 = tpu.memref_slice %arg5[%dma_wait3A_238, %dma_wait3A_239, %dma_wait3A_246] : memref<2x4x200xi32, #tpu.memory_space<vmem>> -> memref<1x1x96xi32, #tpu.memory_space<vmem>>
      %dma_wait3A_248 = tpu.memref_squeeze %dma_wait3A_247 : memref<1x1x96xi32, #tpu.memory_space<vmem>> -> memref<96xi32, #tpu.memory_space<vmem>>
      %dma_wait3A_249 = arith.constant 0 : i32
      %dma_wait3A_250 = arith.constant 0 : i32
      %dma_wait3A_251 = tpu.memref_slice %arg3[%dma_wait3A_249, %dma_wait3A_250] : memref<1000000x32xf32, #tpu.memory_space<hbm>> -> memref<1000000x32xf32, #tpu.memory_space<hbm>>
      tpu.wait_indirect_dma semaphore(%arg8 : memref<!tpu.dma_semaphore, #tpu.memory_space<semaphore_mem>>) src(%dma_wait3A_251 : memref<1000000x32xf32, #tpu.memory_space<hbm>>) dst(%dma_wait3A_245 : memref<96x32xf32, #tpu.memory_space<vmem>>)
      %dma_wait3A_252 = arith.constant 0 : i32
      %dma_wait3A_253 = arith.constant 3 : i32
      %dma_wait3A_254 = arith.constant 0 : i32
      %dma_wait3A_255 = arith.constant 3 : i32
      %dma_wait3A_256 = arith.constant 0 : i32
      %dma_wait3A_257 = arith.constant 0 : i32
      %dma_wait3A_258 = tpu.memref_slice %arg6[%dma_wait3A_254, %dma_wait3A_255, %dma_wait3A_256, %dma_wait3A_257] : memref<2x4x200x32xf32, #tpu.memory_space<vmem>> -> memref<1x1x104x32xf32, #tpu.memory_space<vmem>>
      %dma_wait3A_259 = tpu.memref_squeeze %dma_wait3A_258 : memref<1x1x104x32xf32, #tpu.memory_space<vmem>> -> memref<104x32xf32, #tpu.memory_space<vmem>>
      %dma_wait3A_260 = arith.constant 0 : i32
      %dma_wait3A_261 = tpu.memref_slice %arg5[%dma_wait3A_252, %dma_wait3A_253, %dma_wait3A_260] : memref<2x4x200xi32, #tpu.memory_space<vmem>> -> memref<1x1x104xi32, #tpu.memory_space<vmem>>
      %dma_wait3A_262 = tpu.memref_squeeze %dma_wait3A_261 : memref<1x1x104xi32, #tpu.memory_space<vmem>> -> memref<104xi32, #tpu.memory_space<vmem>>
      %dma_wait3A_263 = arith.constant 0 : i32
      %dma_wait3A_264 = arith.constant 0 : i32
      %dma_wait3A_265 = tpu.memref_slice %arg3[%dma_wait3A_263, %dma_wait3A_264] : memref<1000000x32xf32, #tpu.memory_space<hbm>> -> memref<1000000x32xf32, #tpu.memory_space<hbm>>
      tpu.wait_indirect_dma semaphore(%arg8 : memref<!tpu.dma_semaphore, #tpu.memory_space<semaphore_mem>>) src(%dma_wait3A_265 : memref<1000000x32xf32, #tpu.memory_space<hbm>>) dst(%dma_wait3A_259 : memref<104x32xf32, #tpu.memory_space<vmem>>)
      %dma_wait3A_266 = arith.constant 0 : i32
      %dma_wait3A_267 = arith.constant 3 : i32
      %dma_wait3A_268 = arith.constant 0 : i32
      %dma_wait3A_269 = arith.constant 3 : i32
      %dma_wait3A_270 = arith.constant 104 : i32
      %dma_wait3A_271 = arith.constant 0 : i32
      %dma_wait3A_272 = tpu.memref_slice %arg6[%dma_wait3A_268, %dma_wait3A_269, %dma_wait3A_270, %dma_wait3A_271] : memref<2x4x200x32xf32, #tpu.memory_space<vmem>> -> memref<1x1x96x32xf32, #tpu.memory_space<vmem>>
      %dma_wait3A_273 = tpu.memref_squeeze %dma_wait3A_272 : memref<1x1x96x32xf32, #tpu.memory_space<vmem>> -> memref<96x32xf32, #tpu.memory_space<vmem>>
      %dma_wait3A_274 = arith.constant 104 : i32
      %dma_wait3A_275 = tpu.memref_slice %arg5[%dma_wait3A_266, %dma_wait3A_267, %dma_wait3A_274] : memref<2x4x200xi32, #tpu.memory_space<vmem>> -> memref<1x1x96xi32, #tpu.memory_space<vmem>>
      %dma_wait3A_276 = tpu.memref_squeeze %dma_wait3A_275 : memref<1x1x96xi32, #tpu.memory_space<vmem>> -> memref<96xi32, #tpu.memory_space<vmem>>
      %dma_wait3A_277 = arith.constant 0 : i32
      %dma_wait3A_278 = arith.constant 0 : i32
      %dma_wait3A_279 = tpu.memref_slice %arg3[%dma_wait3A_277, %dma_wait3A_278] : memref<1000000x32xf32, #tpu.memory_space<hbm>> -> memref<1000000x32xf32, #tpu.memory_space<hbm>>
      tpu.wait_indirect_dma semaphore(%arg8 : memref<!tpu.dma_semaphore, #tpu.memory_space<semaphore_mem>>) src(%dma_wait3A_279 : memref<1000000x32xf32, #tpu.memory_space<hbm>>) dst(%dma_wait3A_273 : memref<96x32xf32, #tpu.memory_space<vmem>>)
      %add3A_280 = arith.constant 2 : i32
      %add3A_281 = arith.addi %mul3A_163, %add3A_280 : i32
      %lt3A_282 = arith.constant 128 : i32
      %lt3A_283 = arith.cmpi slt, %add3A_281, %lt3A_282 : i32
      %convert_element_type3A_284 = arith.extui %lt3A_283 : i1 to i32
      %cond3A_285 = arith.constant 0 : i32
      %cond3A_286 = arith.cmpi ne, %convert_element_type3A_284, %cond3A_285 : i32
      scf.if %cond3A_286 {
        %add3A_623 = arith.constant 2 : i32
        %add3A_624 = arith.addi %mul3A_163, %add3A_623 : i32
        %mul3A_625 = arith.constant 4 : i32
        %mul3A_626 = arith.muli %add3A_624, %mul3A_625 : i32
        %add3A_627 = arith.addi %mul3A_2, %mul3A_626 : i32
        %dma_start3A_628 = arith.constant 0 : i32
        %dma_start3A_629 = arith.constant 0 : i32
        %dma_start3A_630 = arith.constant 0 : i32
        %dma_start3A_631 = tpu.memref_slice %arg5[%dma_start3A_628, %dma_start3A_629, %dma_start3A_630] : memref<2x4x200xi32, #tpu.memory_space<vmem>> -> memref<1x4x200xi32, #tpu.memory_space<vmem>>
        %dma_start3A_632 = tpu.memref_squeeze %dma_start3A_631 : memref<1x4x200xi32, #tpu.memory_space<vmem>> -> memref<4x200xi32, #tpu.memory_space<vmem>>
        %dma_start3A_633 = arith.constant 0 : i32
        %dma_start3A_634 = tpu.memref_slice %arg2[%add3A_627, %dma_start3A_633] : memref<16384x200xi32, #tpu.memory_space<hbm>> -> memref<4x200xi32, #tpu.memory_space<hbm>>
        %dma_start3A_635 = arith.constant 0 : i32
        %dma_start3A_636 = arith.constant 0 : i32
        %dma_start3A_637 = tpu.memref_slice %arg5[%dma_start3A_628, %dma_start3A_635, %dma_start3A_636] : memref<2x4x200xi32, #tpu.memory_space<vmem>> -> memref<1x4x200xi32, #tpu.memory_space<vmem>>
        %dma_start3A_638 = tpu.memref_squeeze %dma_start3A_637 : memref<1x4x200xi32, #tpu.memory_space<vmem>> -> memref<4x200xi32, #tpu.memory_space<vmem>>
        %dma_start3A_639 = arith.constant 0 : i32
        %dma_start3A_640 = tpu.memref_slice %arg2[%add3A_627, %dma_start3A_639] : memref<16384x200xi32, #tpu.memory_space<hbm>> -> memref<4x200xi32, #tpu.memory_space<hbm>>
        tpu.enqueue_dma source(%dma_start3A_640 : memref<4x200xi32, #tpu.memory_space<hbm>>) target(%dma_start3A_638 : memref<4x200xi32, #tpu.memory_space<vmem>>) target_semaphore(%arg10 : memref<!tpu.dma_semaphore, #tpu.memory_space<semaphore_mem>>)
      } else {
      }
      %broadcast_in_dim3A = arith.constant 0.000000e+00 : f32
      %broadcast_in_dim3A_287 = vector.broadcast %broadcast_in_dim3A : f32 to vector<16xf32>
      %scan3A_288 = arith.constant 0 : i32
      %scan3A_289 = arith.constant 200 : i32
      %scan3A_290 = arith.addi %scan3A_288, %scan3A_289 : i32
      %scan3A_291 = arith.constant 2 : i32
      %scan3A_292:8 = scf.for %scan3A_623 = %scan3A_288 to %scan3A_290 step %scan3A_291 iter_args(%scan3A_624 = %broadcast_in_dim3A_287, %scan3A_625 = %broadcast_in_dim3A_287, %scan3A_626 = %broadcast_in_dim3A_287, %scan3A_627 = %broadcast_in_dim3A_287, %scan3A_628 = %broadcast_in_dim3A_287, %scan3A_629 = %broadcast_in_dim3A_287, %scan3A_630 = %broadcast_in_dim3A_287, %scan3A_631 = %broadcast_in_dim3A_287) -> (vector<16xf32>, vector<16xf32>, vector<16xf32>, vector<16xf32>, vector<16xf32>, vector<16xf32>, vector<16xf32>, vector<16xf32>)  : i32 {
        %get3A = arith.constant 0 : i32
        %get3A_632 = arith.constant 0 : i32
        %get3A_633 = arith.index_cast %get3A : i32 to index
        %get3A_634 = arith.index_cast %get3A_632 : i32 to index
        %get3A_635 = arith.index_cast %scan3A_623 : i32 to index
        %get3A_636 = arith.constant 0 : index
        %get3A_637 = tpu.vector_load %arg6[%get3A_633, %get3A_634, %get3A_635, %get3A_636] {strides = array<i32>} : memref<2x4x200x32xf32, #tpu.memory_space<vmem>>, vector<1x1x1x16xf32>,
        %get3A_638 = vector.shape_cast %get3A_637 : vector<1x1x1x16xf32> to vector<16xf32>
        %add3A_639 = arith.addf %scan3A_624, %get3A_638 : vector<16xf32>
        %get3A_640 = arith.constant 0 : i32
        %get3A_641 = arith.constant 0 : i32
        %get3A_642 = arith.index_cast %get3A_640 : i32 to index
        %get3A_643 = arith.index_cast %get3A_641 : i32 to index
        %get3A_644 = arith.index_cast %scan3A_623 : i32 to index
        %get3A_645 = arith.constant 16 : index
        %get3A_646 = tpu.vector_load %arg6[%get3A_642, %get3A_643, %get3A_644, %get3A_645] {strides = array<i32>} : memref<2x4x200x32xf32, #tpu.memory_space<vmem>>, vector<1x1x1x16xf32>,
        %get3A_647 = vector.shape_cast %get3A_646 : vector<1x1x1x16xf32> to vector<16xf32>
        %add3A_648 = arith.addf %scan3A_625, %get3A_647 : vector<16xf32>
        %get3A_649 = arith.constant 0 : i32
        %get3A_650 = arith.constant 1 : i32
        %get3A_651 = arith.index_cast %get3A_649 : i32 to index
        %get3A_652 = arith.index_cast %get3A_650 : i32 to index
        %get3A_653 = arith.index_cast %scan3A_623 : i32 to index
        %get3A_654 = arith.constant 0 : index
        %get3A_655 = tpu.vector_load %arg6[%get3A_651, %get3A_652, %get3A_653, %get3A_654] {strides = array<i32>} : memref<2x4x200x32xf32, #tpu.memory_space<vmem>>, vector<1x1x1x16xf32>,
        %get3A_656 = vector.shape_cast %get3A_655 : vector<1x1x1x16xf32> to vector<16xf32>
        %add3A_657 = arith.addf %scan3A_626, %get3A_656 : vector<16xf32>
        %get3A_658 = arith.constant 0 : i32
        %get3A_659 = arith.constant 1 : i32
        %get3A_660 = arith.index_cast %get3A_658 : i32 to index
        %get3A_661 = arith.index_cast %get3A_659 : i32 to index
        %get3A_662 = arith.index_cast %scan3A_623 : i32 to index
        %get3A_663 = arith.constant 16 : index
        %get3A_664 = tpu.vector_load %arg6[%get3A_660, %get3A_661, %get3A_662, %get3A_663] {strides = array<i32>} : memref<2x4x200x32xf32, #tpu.memory_space<vmem>>, vector<1x1x1x16xf32>,
        %get3A_665 = vector.shape_cast %get3A_664 : vector<1x1x1x16xf32> to vector<16xf32>
        %add3A_666 = arith.addf %scan3A_627, %get3A_665 : vector<16xf32>
        %get3A_667 = arith.constant 0 : i32
        %get3A_668 = arith.constant 2 : i32
        %get3A_669 = arith.index_cast %get3A_667 : i32 to index
        %get3A_670 = arith.index_cast %get3A_668 : i32 to index
        %get3A_671 = arith.index_cast %scan3A_623 : i32 to index
        %get3A_672 = arith.constant 0 : index
        %get3A_673 = tpu.vector_load %arg6[%get3A_669, %get3A_670, %get3A_671, %get3A_672] {strides = array<i32>} : memref<2x4x200x32xf32, #tpu.memory_space<vmem>>, vector<1x1x1x16xf32>,
        %get3A_674 = vector.shape_cast %get3A_673 : vector<1x1x1x16xf32> to vector<16xf32>
        %add3A_675 = arith.addf %scan3A_628, %get3A_674 : vector<16xf32>
        %get3A_676 = arith.constant 0 : i32
        %get3A_677 = arith.constant 2 : i32
        %get3A_678 = arith.index_cast %get3A_676 : i32 to index
        %get3A_679 = arith.index_cast %get3A_677 : i32 to index
        %get3A_680 = arith.index_cast %scan3A_623 : i32 to index
        %get3A_681 = arith.constant 16 : index
        %get3A_682 = tpu.vector_load %arg6[%get3A_678, %get3A_679, %get3A_680, %get3A_681] {strides = array<i32>} : memref<2x4x200x32xf32, #tpu.memory_space<vmem>>, vector<1x1x1x16xf32>,
        %get3A_683 = vector.shape_cast %get3A_682 : vector<1x1x1x16xf32> to vector<16xf32>
        %add3A_684 = arith.addf %scan3A_629, %get3A_683 : vector<16xf32>
        %get3A_685 = arith.constant 0 : i32
        %get3A_686 = arith.constant 3 : i32
        %get3A_687 = arith.index_cast %get3A_685 : i32 to index
        %get3A_688 = arith.index_cast %get3A_686 : i32 to index
        %get3A_689 = arith.index_cast %scan3A_623 : i32 to index
        %get3A_690 = arith.constant 0 : index
        %get3A_691 = tpu.vector_load %arg6[%get3A_687, %get3A_688, %get3A_689, %get3A_690] {strides = array<i32>} : memref<2x4x200x32xf32, #tpu.memory_space<vmem>>, vector<1x1x1x16xf32>,
        %get3A_692 = vector.shape_cast %get3A_691 : vector<1x1x1x16xf32> to vector<16xf32>
        %add3A_693 = arith.addf %scan3A_630, %get3A_692 : vector<16xf32>
        %get3A_694 = arith.constant 0 : i32
        %get3A_695 = arith.constant 3 : i32
        %get3A_696 = arith.index_cast %get3A_694 : i32 to index
        %get3A_697 = arith.index_cast %get3A_695 : i32 to index
        %get3A_698 = arith.index_cast %scan3A_623 : i32 to index
        %get3A_699 = arith.constant 16 : index
        %get3A_700 = tpu.vector_load %arg6[%get3A_696, %get3A_697, %get3A_698, %get3A_699] {strides = array<i32>} : memref<2x4x200x32xf32, #tpu.memory_space<vmem>>, vector<1x1x1x16xf32>,
        %get3A_701 = vector.shape_cast %get3A_700 : vector<1x1x1x16xf32> to vector<16xf32>
        %add3A_702 = arith.addf %scan3A_631, %get3A_701 : vector<16xf32>
        %scan3A_703 = arith.constant 1 : i32
        %scan3A_704 = arith.addi %scan3A_623, %scan3A_703 : i32
        %get3A_705 = arith.constant 0 : i32
        %get3A_706 = arith.constant 0 : i32
        %get3A_707 = arith.index_cast %get3A_705 : i32 to index
        %get3A_708 = arith.index_cast %get3A_706 : i32 to index
        %get3A_709 = arith.index_cast %scan3A_704 : i32 to index
        %get3A_710 = arith.constant 0 : index
        %get3A_711 = tpu.vector_load %arg6[%get3A_707, %get3A_708, %get3A_709, %get3A_710] {strides = array<i32>} : memref<2x4x200x32xf32, #tpu.memory_space<vmem>>, vector<1x1x1x16xf32>,
        %get3A_712 = vector.shape_cast %get3A_711 : vector<1x1x1x16xf32> to vector<16xf32>
        %add3A_713 = arith.addf %add3A_639, %get3A_712 : vector<16xf32>
        %get3A_714 = arith.constant 0 : i32
        %get3A_715 = arith.constant 0 : i32
        %get3A_716 = arith.index_cast %get3A_714 : i32 to index
        %get3A_717 = arith.index_cast %get3A_715 : i32 to index
        %get3A_718 = arith.index_cast %scan3A_704 : i32 to index
        %get3A_719 = arith.constant 16 : index
        %get3A_720 = tpu.vector_load %arg6[%get3A_716, %get3A_717, %get3A_718, %get3A_719] {strides = array<i32>} : memref<2x4x200x32xf32, #tpu.memory_space<vmem>>, vector<1x1x1x16xf32>,
        %get3A_721 = vector.shape_cast %get3A_720 : vector<1x1x1x16xf32> to vector<16xf32>
        %add3A_722 = arith.addf %add3A_648, %get3A_721 : vector<16xf32>
        %get3A_723 = arith.constant 0 : i32
        %get3A_724 = arith.constant 1 : i32
        %get3A_725 = arith.index_cast %get3A_723 : i32 to index
        %get3A_726 = arith.index_cast %get3A_724 : i32 to index
        %get3A_727 = arith.index_cast %scan3A_704 : i32 to index
        %get3A_728 = arith.constant 0 : index
        %get3A_729 = tpu.vector_load %arg6[%get3A_725, %get3A_726, %get3A_727, %get3A_728] {strides = array<i32>} : memref<2x4x200x32xf32, #tpu.memory_space<vmem>>, vector<1x1x1x16xf32>,
        %get3A_730 = vector.shape_cast %get3A_729 : vector<1x1x1x16xf32> to vector<16xf32>
        %add3A_731 = arith.addf %add3A_657, %get3A_730 : vector<16xf32>
        %get3A_732 = arith.constant 0 : i32
        %get3A_733 = arith.constant 1 : i32
        %get3A_734 = arith.index_cast %get3A_732 : i32 to index
        %get3A_735 = arith.index_cast %get3A_733 : i32 to index
        %get3A_736 = arith.index_cast %scan3A_704 : i32 to index
        %get3A_737 = arith.constant 16 : index
        %get3A_738 = tpu.vector_load %arg6[%get3A_734, %get3A_735, %get3A_736, %get3A_737] {strides = array<i32>} : memref<2x4x200x32xf32, #tpu.memory_space<vmem>>, vector<1x1x1x16xf32>,
        %get3A_739 = vector.shape_cast %get3A_738 : vector<1x1x1x16xf32> to vector<16xf32>
        %add3A_740 = arith.addf %add3A_666, %get3A_739 : vector<16xf32>
        %get3A_741 = arith.constant 0 : i32
        %get3A_742 = arith.constant 2 : i32
        %get3A_743 = arith.index_cast %get3A_741 : i32 to index
        %get3A_744 = arith.index_cast %get3A_742 : i32 to index
        %get3A_745 = arith.index_cast %scan3A_704 : i32 to index
        %get3A_746 = arith.constant 0 : index
        %get3A_747 = tpu.vector_load %arg6[%get3A_743, %get3A_744, %get3A_745, %get3A_746] {strides = array<i32>} : memref<2x4x200x32xf32, #tpu.memory_space<vmem>>, vector<1x1x1x16xf32>,
        %get3A_748 = vector.shape_cast %get3A_747 : vector<1x1x1x16xf32> to vector<16xf32>
        %add3A_749 = arith.addf %add3A_675, %get3A_748 : vector<16xf32>
        %get3A_750 = arith.constant 0 : i32
        %get3A_751 = arith.constant 2 : i32
        %get3A_752 = arith.index_cast %get3A_750 : i32 to index
        %get3A_753 = arith.index_cast %get3A_751 : i32 to index
        %get3A_754 = arith.index_cast %scan3A_704 : i32 to index
        %get3A_755 = arith.constant 16 : index
        %get3A_756 = tpu.vector_load %arg6[%get3A_752, %get3A_753, %get3A_754, %get3A_755] {strides = array<i32>} : memref<2x4x200x32xf32, #tpu.memory_space<vmem>>, vector<1x1x1x16xf32>,
        %get3A_757 = vector.shape_cast %get3A_756 : vector<1x1x1x16xf32> to vector<16xf32>
        %add3A_758 = arith.addf %add3A_684, %get3A_757 : vector<16xf32>
        %get3A_759 = arith.constant 0 : i32
        %get3A_760 = arith.constant 3 : i32
        %get3A_761 = arith.index_cast %get3A_759 : i32 to index
        %get3A_762 = arith.index_cast %get3A_760 : i32 to index
        %get3A_763 = arith.index_cast %scan3A_704 : i32 to index
        %get3A_764 = arith.constant 0 : index
        %get3A_765 = tpu.vector_load %arg6[%get3A_761, %get3A_762, %get3A_763, %get3A_764] {strides = array<i32>} : memref<2x4x200x32xf32, #tpu.memory_space<vmem>>, vector<1x1x1x16xf32>,
        %get3A_766 = vector.shape_cast %get3A_765 : vector<1x1x1x16xf32> to vector<16xf32>
        %add3A_767 = arith.addf %add3A_693, %get3A_766 : vector<16xf32>
        %get3A_768 = arith.constant 0 : i32
        %get3A_769 = arith.constant 3 : i32
        %get3A_770 = arith.index_cast %get3A_768 : i32 to index
        %get3A_771 = arith.index_cast %get3A_769 : i32 to index
        %get3A_772 = arith.index_cast %scan3A_704 : i32 to index
        %get3A_773 = arith.constant 16 : index
        %get3A_774 = tpu.vector_load %arg6[%get3A_770, %get3A_771, %get3A_772, %get3A_773] {strides = array<i32>} : memref<2x4x200x32xf32, #tpu.memory_space<vmem>>, vector<1x1x1x16xf32>,
        %get3A_775 = vector.shape_cast %get3A_774 : vector<1x1x1x16xf32> to vector<16xf32>
        %add3A_776 = arith.addf %add3A_702, %get3A_775 : vector<16xf32>
        scf.yield %add3A_713, %add3A_722, %add3A_731, %add3A_740, %add3A_749, %add3A_758, %add3A_767, %add3A_776 : vector<16xf32>, vector<16xf32>, vector<16xf32>, vector<16xf32>, vector<16xf32>, vector<16xf32>, vector<16xf32>, vector<16xf32>
      }
      %scan3A_293 = arith.constant 200 : i32
      %mul3A_294 = arith.constant 5.000000e-03 : f32
      %mul3A_295 = vector.broadcast %mul3A_294 : f32 to vector<16xf32>
      %mul3A_296 = arith.mulf %scan3A_292#0, %mul3A_295 : vector<16xf32>
      %mul3A_297 = arith.constant 4 : i32
      %mul3A_298 = arith.muli %mul3A_163, %mul3A_297 : i32
      %add3A_299 = arith.constant 0 : i32
      %add3A_300 = arith.addi %mul3A_298, %add3A_299 : i32
      %swap3A = arith.index_cast %add3A_300 : i32 to index
      %swap3A_301 = arith.constant 0 : index
      %swap3A_302 = tpu.vector_load %arg7[%swap3A, %swap3A_301] {strides = array<i32>} : memref<512x32xf32, #tpu.memory_space<vmem>>, vector<1x16xf32>,
      %swap3A_303 = vector.shape_cast %swap3A_302 : vector<1x16xf32> to vector<16xf32>
      %swap3A_304 = vector.shape_cast %mul3A_296 : vector<16xf32> to vector<1x16xf32>
      tpu.vector_store %arg7[%swap3A, %swap3A_301], %swap3A_304 {strides = array<i32>} : memref<512x32xf32, #tpu.memory_space<vmem>>, vector<1x16xf32>,
      %mul3A_305 = arith.constant 5.000000e-03 : f32
      %mul3A_306 = vector.broadcast %mul3A_305 : f32 to vector<16xf32>
      %mul3A_307 = arith.mulf %scan3A_292#1, %mul3A_306 : vector<16xf32>
      %mul3A_308 = arith.constant 4 : i32
      %mul3A_309 = arith.muli %mul3A_163, %mul3A_308 : i32
      %add3A_310 = arith.constant 0 : i32
      %add3A_311 = arith.addi %mul3A_309, %add3A_310 : i32
      %swap3A_312 = arith.index_cast %add3A_311 : i32 to index
      %swap3A_313 = arith.constant 16 : index
      %swap3A_314 = tpu.vector_load %arg7[%swap3A_312, %swap3A_313] {strides = array<i32>} : memref<512x32xf32, #tpu.memory_space<vmem>>, vector<1x16xf32>,
      %swap3A_315 = vector.shape_cast %swap3A_314 : vector<1x16xf32> to vector<16xf32>
      %swap3A_316 = vector.shape_cast %mul3A_307 : vector<16xf32> to vector<1x16xf32>
      tpu.vector_store %arg7[%swap3A_312, %swap3A_313], %swap3A_316 {strides = array<i32>} : memref<512x32xf32, #tpu.memory_space<vmem>>, vector<1x16xf32>,
      %mul3A_317 = arith.constant 5.000000e-03 : f32
      %mul3A_318 = vector.broadcast %mul3A_317 : f32 to vector<16xf32>
      %mul3A_319 = arith.mulf %scan3A_292#2, %mul3A_318 : vector<16xf32>
      %mul3A_320 = arith.constant 4 : i32
      %mul3A_321 = arith.muli %mul3A_163, %mul3A_320 : i32
      %add3A_322 = arith.constant 1 : i32
      %add3A_323 = arith.addi %mul3A_321, %add3A_322 : i32
      %swap3A_324 = arith.index_cast %add3A_323 : i32 to index
      %swap3A_325 = arith.constant 0 : index
      %swap3A_326 = tpu.vector_load %arg7[%swap3A_324, %swap3A_325] {strides = array<i32>} : memref<512x32xf32, #tpu.memory_space<vmem>>, vector<1x16xf32>,
      %swap3A_327 = vector.shape_cast %swap3A_326 : vector<1x16xf32> to vector<16xf32>
      %swap3A_328 = vector.shape_cast %mul3A_319 : vector<16xf32> to vector<1x16xf32>
      tpu.vector_store %arg7[%swap3A_324, %swap3A_325], %swap3A_328 {strides = array<i32>} : memref<512x32xf32, #tpu.memory_space<vmem>>, vector<1x16xf32>,
      %mul3A_329 = arith.constant 5.000000e-03 : f32
      %mul3A_330 = vector.broadcast %mul3A_329 : f32 to vector<16xf32>
      %mul3A_331 = arith.mulf %scan3A_292#3, %mul3A_330 : vector<16xf32>
      %mul3A_332 = arith.constant 4 : i32
      %mul3A_333 = arith.muli %mul3A_163, %mul3A_332 : i32
      %add3A_334 = arith.constant 1 : i32
      %add3A_335 = arith.addi %mul3A_333, %add3A_334 : i32
      %swap3A_336 = arith.index_cast %add3A_335 : i32 to index
      %swap3A_337 = arith.constant 16 : index
      %swap3A_338 = tpu.vector_load %arg7[%swap3A_336, %swap3A_337] {strides = array<i32>} : memref<512x32xf32, #tpu.memory_space<vmem>>, vector<1x16xf32>,
      %swap3A_339 = vector.shape_cast %swap3A_338 : vector<1x16xf32> to vector<16xf32>
      %swap3A_340 = vector.shape_cast %mul3A_331 : vector<16xf32> to vector<1x16xf32>
      tpu.vector_store %arg7[%swap3A_336, %swap3A_337], %swap3A_340 {strides = array<i32>} : memref<512x32xf32, #tpu.memory_space<vmem>>, vector<1x16xf32>,
      %mul3A_341 = arith.constant 5.000000e-03 : f32
      %mul3A_342 = vector.broadcast %mul3A_341 : f32 to vector<16xf32>
      %mul3A_343 = arith.mulf %scan3A_292#4, %mul3A_342 : vector<16xf32>
      %mul3A_344 = arith.constant 4 : i32
      %mul3A_345 = arith.muli %mul3A_163, %mul3A_344 : i32
      %add3A_346 = arith.constant 2 : i32
      %add3A_347 = arith.addi %mul3A_345, %add3A_346 : i32
      %swap3A_348 = arith.index_cast %add3A_347 : i32 to index
      %swap3A_349 = arith.constant 0 : index
      %swap3A_350 = tpu.vector_load %arg7[%swap3A_348, %swap3A_349] {strides = array<i32>} : memref<512x32xf32, #tpu.memory_space<vmem>>, vector<1x16xf32>,
      %swap3A_351 = vector.shape_cast %swap3A_350 : vector<1x16xf32> to vector<16xf32>
      %swap3A_352 = vector.shape_cast %mul3A_343 : vector<16xf32> to vector<1x16xf32>
      tpu.vector_store %arg7[%swap3A_348, %swap3A_349], %swap3A_352 {strides = array<i32>} : memref<512x32xf32, #tpu.memory_space<vmem>>, vector<1x16xf32>,
      %mul3A_353 = arith.constant 5.000000e-03 : f32
      %mul3A_354 = vector.broadcast %mul3A_353 : f32 to vector<16xf32>
      %mul3A_355 = arith.mulf %scan3A_292#5, %mul3A_354 : vector<16xf32>
      %mul3A_356 = arith.constant 4 : i32
      %mul3A_357 = arith.muli %mul3A_163, %mul3A_356 : i32
      %add3A_358 = arith.constant 2 : i32
      %add3A_359 = arith.addi %mul3A_357, %add3A_358 : i32
      %swap3A_360 = arith.index_cast %add3A_359 : i32 to index
      %swap3A_361 = arith.constant 16 : index
      %swap3A_362 = tpu.vector_load %arg7[%swap3A_360, %swap3A_361] {strides = array<i32>} : memref<512x32xf32, #tpu.memory_space<vmem>>, vector<1x16xf32>,
      %swap3A_363 = vector.shape_cast %swap3A_362 : vector<1x16xf32> to vector<16xf32>
      %swap3A_364 = vector.shape_cast %mul3A_355 : vector<16xf32> to vector<1x16xf32>
      tpu.vector_store %arg7[%swap3A_360, %swap3A_361], %swap3A_364 {strides = array<i32>} : memref<512x32xf32, #tpu.memory_space<vmem>>, vector<1x16xf32>,
      %mul3A_365 = arith.constant 5.000000e-03 : f32
      %mul3A_366 = vector.broadcast %mul3A_365 : f32 to vector<16xf32>
      %mul3A_367 = arith.mulf %scan3A_292#6, %mul3A_366 : vector<16xf32>
      %mul3A_368 = arith.constant 4 : i32
      %mul3A_369 = arith.muli %mul3A_163, %mul3A_368 : i32
      %add3A_370 = arith.constant 3 : i32
      %add3A_371 = arith.addi %mul3A_369, %add3A_370 : i32
      %swap3A_372 = arith.index_cast %add3A_371 : i32 to index
      %swap3A_373 = arith.constant 0 : index
      %swap3A_374 = tpu.vector_load %arg7[%swap3A_372, %swap3A_373] {strides = array<i32>} : memref<512x32xf32, #tpu.memory_space<vmem>>, vector<1x16xf32>,
      %swap3A_375 = vector.shape_cast %swap3A_374 : vector<1x16xf32> to vector<16xf32>
      %swap3A_376 = vector.shape_cast %mul3A_367 : vector<16xf32> to vector<1x16xf32>
      tpu.vector_store %arg7[%swap3A_372, %swap3A_373], %swap3A_376 {strides = array<i32>} : memref<512x32xf32, #tpu.memory_space<vmem>>, vector<1x16xf32>,
      %mul3A_377 = arith.constant 5.000000e-03 : f32
      %mul3A_378 = vector.broadcast %mul3A_377 : f32 to vector<16xf32>
      %mul3A_379 = arith.mulf %scan3A_292#7, %mul3A_378 : vector<16xf32>
      %mul3A_380 = arith.constant 4 : i32
      %mul3A_381 = arith.muli %mul3A_163, %mul3A_380 : i32
      %add3A_382 = arith.constant 3 : i32
      %add3A_383 = arith.addi %mul3A_381, %add3A_382 : i32
      %swap3A_384 = arith.index_cast %add3A_383 : i32 to index
      %swap3A_385 = arith.constant 16 : index
      %swap3A_386 = tpu.vector_load %arg7[%swap3A_384, %swap3A_385] {strides = array<i32>} : memref<512x32xf32, #tpu.memory_space<vmem>>, vector<1x16xf32>,
      %swap3A_387 = vector.shape_cast %swap3A_386 : vector<1x16xf32> to vector<16xf32>
      %swap3A_388 = vector.shape_cast %mul3A_379 : vector<16xf32> to vector<1x16xf32>
      tpu.vector_store %arg7[%swap3A_384, %swap3A_385], %swap3A_388 {strides = array<i32>} : memref<512x32xf32, #tpu.memory_space<vmem>>, vector<1x16xf32>,
      %mul3A_389 = arith.constant 2 : i32
      %mul3A_390 = arith.muli %mul3A_389, %scan3A_161 : i32
      %add3A_391 = arith.constant 1 : i32
      %add3A_392 = arith.addi %mul3A_390, %add3A_391 : i32
      %add3A_393 = arith.constant 1 : i32
      %add3A_394 = arith.addi %add3A_392, %add3A_393 : i32
      %lt3A_395 = arith.constant 128 : i32
      %lt3A_396 = arith.cmpi slt, %add3A_394, %lt3A_395 : i32
      %convert_element_type3A_397 = arith.extui %lt3A_396 : i1 to i32
      %cond3A_398 = arith.constant 0 : i32
      %cond3A_399 = arith.cmpi ne, %convert_element_type3A_397, %cond3A_398 : i32
      scf.if %cond3A_399 {
        %add3A_623 = arith.constant 1 : i32
        %add3A_624 = arith.addi %add3A_392, %add3A_623 : i32
        %mul3A_625 = arith.constant 4 : i32
        %mul3A_626 = arith.muli %add3A_624, %mul3A_625 : i32
        %add3A_627 = arith.addi %mul3A_2, %mul3A_626 : i32
        %dma_wait3A_628 = arith.constant 0 : i32
        %dma_wait3A_629 = arith.constant 0 : i32
        %dma_wait3A_630 = arith.constant 0 : i32
        %dma_wait3A_631 = tpu.memref_slice %arg5[%dma_wait3A_628, %dma_wait3A_629, %dma_wait3A_630] : memref<2x4x200xi32, #tpu.memory_space<vmem>> -> memref<1x4x200xi32, #tpu.memory_space<vmem>>
        %dma_wait3A_632 = tpu.memref_squeeze %dma_wait3A_631 : memref<1x4x200xi32, #tpu.memory_space<vmem>> -> memref<4x200xi32, #tpu.memory_space<vmem>>
        %dma_wait3A_633 = arith.constant 0 : i32
        %dma_wait3A_634 = tpu.memref_slice %arg2[%add3A_627, %dma_wait3A_633] : memref<16384x200xi32, #tpu.memory_space<hbm>> -> memref<4x200xi32, #tpu.memory_space<hbm>>
        %dma_wait3A_635 = arith.constant 0 : i32
        %dma_wait3A_636 = arith.constant 0 : i32
        %dma_wait3A_637 = tpu.memref_slice %arg5[%dma_wait3A_628, %dma_wait3A_635, %dma_wait3A_636] : memref<2x4x200xi32, #tpu.memory_space<vmem>> -> memref<1x4x200xi32, #tpu.memory_space<vmem>>
        %dma_wait3A_638 = tpu.memref_squeeze %dma_wait3A_637 : memref<1x4x200xi32, #tpu.memory_space<vmem>> -> memref<4x200xi32, #tpu.memory_space<vmem>>
        %dma_wait3A_639 = arith.constant 0 : i32
        %dma_wait3A_640 = tpu.memref_slice %arg2[%add3A_627, %dma_wait3A_639] : memref<16384x200xi32, #tpu.memory_space<hbm>> -> memref<4x200xi32, #tpu.memory_space<hbm>>
        tpu.wait_dma2 semaphore(%arg10 : memref<!tpu.dma_semaphore, #tpu.memory_space<semaphore_mem>>) src(%dma_wait3A_640 : memref<4x200xi32, #tpu.memory_space<hbm>>) dst(%dma_wait3A_638 : memref<4x200xi32, #tpu.memory_space<vmem>>)
        %dma_start3A_641 = arith.constant 0 : i32
        %dma_start3A_642 = arith.constant 0 : i32
        %dma_start3A_643 = arith.constant 0 : i32
        %dma_start3A_644 = arith.constant 0 : i32
        %dma_start3A_645 = arith.constant 0 : i32
        %dma_start3A_646 = arith.constant 0 : i32
        %dma_start3A_647 = tpu.memref_slice %arg6[%dma_start3A_643, %dma_start3A_644, %dma_start3A_645, %dma_start3A_646] : memref<2x4x200x32xf32, #tpu.memory_space<vmem>> -> memref<1x1x104x32xf32, #tpu.memory_space<vmem>>
        %dma_start3A_648 = tpu.memref_squeeze %dma_start3A_647 : memref<1x1x104x32xf32, #tpu.memory_space<vmem>> -> memref<104x32xf32, #tpu.memory_space<vmem>>
        %dma_start3A_649 = arith.constant 0 : i32
        %dma_start3A_650 = tpu.memref_slice %arg5[%dma_start3A_641, %dma_start3A_642, %dma_start3A_649] : memref<2x4x200xi32, #tpu.memory_space<vmem>> -> memref<1x1x104xi32, #tpu.memory_space<vmem>>
        %dma_start3A_651 = tpu.memref_squeeze %dma_start3A_650 : memref<1x1x104xi32, #tpu.memory_space<vmem>> -> memref<104xi32, #tpu.memory_space<vmem>>
        %dma_start3A_652 = arith.constant 0 : i32
        %dma_start3A_653 = arith.constant 0 : i32
        %dma_start3A_654 = tpu.memref_slice %arg3[%dma_start3A_652, %dma_start3A_653] : memref<1000000x32xf32, #tpu.memory_space<hbm>> -> memref<1000000x32xf32, #tpu.memory_space<hbm>>
        tpu.enqueue_indirect_dma source(%dma_start3A_654 : memref<1000000x32xf32, #tpu.memory_space<hbm>>) target(%dma_start3A_648 : memref<104x32xf32, #tpu.memory_space<vmem>>) offsets(%dma_start3A_651 : memref<104xi32, #tpu.memory_space<vmem>>) semaphore(%arg8 : memref<!tpu.dma_semaphore, #tpu.memory_space<semaphore_mem>>)
        %dma_start3A_655 = arith.constant 0 : i32
        %dma_start3A_656 = arith.constant 0 : i32
        %dma_start3A_657 = arith.constant 0 : i32
        %dma_start3A_658 = arith.constant 0 : i32
        %dma_start3A_659 = arith.constant 104 : i32
        %dma_start3A_660 = arith.constant 0 : i32
        %dma_start3A_661 = tpu.memref_slice %arg6[%dma_start3A_657, %dma_start3A_658, %dma_start3A_659, %dma_start3A_660] : memref<2x4x200x32xf32, #tpu.memory_space<vmem>> -> memref<1x1x96x32xf32, #tpu.memory_space<vmem>>
        %dma_start3A_662 = tpu.memref_squeeze %dma_start3A_661 : memref<1x1x96x32xf32, #tpu.memory_space<vmem>> -> memref<96x32xf32, #tpu.memory_space<vmem>>
        %dma_start3A_663 = arith.constant 104 : i32
        %dma_start3A_664 = tpu.memref_slice %arg5[%dma_start3A_655, %dma_start3A_656, %dma_start3A_663] : memref<2x4x200xi32, #tpu.memory_space<vmem>> -> memref<1x1x96xi32, #tpu.memory_space<vmem>>
        %dma_start3A_665 = tpu.memref_squeeze %dma_start3A_664 : memref<1x1x96xi32, #tpu.memory_space<vmem>> -> memref<96xi32, #tpu.memory_space<vmem>>
        %dma_start3A_666 = arith.constant 0 : i32
        %dma_start3A_667 = arith.constant 0 : i32
        %dma_start3A_668 = tpu.memref_slice %arg3[%dma_start3A_666, %dma_start3A_667] : memref<1000000x32xf32, #tpu.memory_space<hbm>> -> memref<1000000x32xf32, #tpu.memory_space<hbm>>
        tpu.enqueue_indirect_dma source(%dma_start3A_668 : memref<1000000x32xf32, #tpu.memory_space<hbm>>) target(%dma_start3A_662 : memref<96x32xf32, #tpu.memory_space<vmem>>) offsets(%dma_start3A_665 : memref<96xi32, #tpu.memory_space<vmem>>) semaphore(%arg8 : memref<!tpu.dma_semaphore, #tpu.memory_space<semaphore_mem>>)
        %dma_start3A_669 = arith.constant 0 : i32
        %dma_start3A_670 = arith.constant 1 : i32
        %dma_start3A_671 = arith.constant 0 : i32
        %dma_start3A_672 = arith.constant 1 : i32
        %dma_start3A_673 = arith.constant 0 : i32
        %dma_start3A_674 = arith.constant 0 : i32
        %dma_start3A_675 = tpu.memref_slice %arg6[%dma_start3A_671, %dma_start3A_672, %dma_start3A_673, %dma_start3A_674] : memref<2x4x200x32xf32, #tpu.memory_space<vmem>> -> memref<1x1x104x32xf32, #tpu.memory_space<vmem>>
        %dma_start3A_676 = tpu.memref_squeeze %dma_start3A_675 : memref<1x1x104x32xf32, #tpu.memory_space<vmem>> -> memref<104x32xf32, #tpu.memory_space<vmem>>
        %dma_start3A_677 = arith.constant 0 : i32
        %dma_start3A_678 = tpu.memref_slice %arg5[%dma_start3A_669, %dma_start3A_670, %dma_start3A_677] : memref<2x4x200xi32, #tpu.memory_space<vmem>> -> memref<1x1x104xi32, #tpu.memory_space<vmem>>
        %dma_start3A_679 = tpu.memref_squeeze %dma_start3A_678 : memref<1x1x104xi32, #tpu.memory_space<vmem>> -> memref<104xi32, #tpu.memory_space<vmem>>
        %dma_start3A_680 = arith.constant 0 : i32
        %dma_start3A_681 = arith.constant 0 : i32
        %dma_start3A_682 = tpu.memref_slice %arg3[%dma_start3A_680, %dma_start3A_681] : memref<1000000x32xf32, #tpu.memory_space<hbm>> -> memref<1000000x32xf32, #tpu.memory_space<hbm>>
        tpu.enqueue_indirect_dma source(%dma_start3A_682 : memref<1000000x32xf32, #tpu.memory_space<hbm>>) target(%dma_start3A_676 : memref<104x32xf32, #tpu.memory_space<vmem>>) offsets(%dma_start3A_679 : memref<104xi32, #tpu.memory_space<vmem>>) semaphore(%arg8 : memref<!tpu.dma_semaphore, #tpu.memory_space<semaphore_mem>>)
        %dma_start3A_683 = arith.constant 0 : i32
        %dma_start3A_684 = arith.constant 1 : i32
        %dma_start3A_685 = arith.constant 0 : i32
        %dma_start3A_686 = arith.constant 1 : i32
        %dma_start3A_687 = arith.constant 104 : i32
        %dma_start3A_688 = arith.constant 0 : i32
        %dma_start3A_689 = tpu.memref_slice %arg6[%dma_start3A_685, %dma_start3A_686, %dma_start3A_687, %dma_start3A_688] : memref<2x4x200x32xf32, #tpu.memory_space<vmem>> -> memref<1x1x96x32xf32, #tpu.memory_space<vmem>>
        %dma_start3A_690 = tpu.memref_squeeze %dma_start3A_689 : memref<1x1x96x32xf32, #tpu.memory_space<vmem>> -> memref<96x32xf32, #tpu.memory_space<vmem>>
        %dma_start3A_691 = arith.constant 104 : i32
        %dma_start3A_692 = tpu.memref_slice %arg5[%dma_start3A_683, %dma_start3A_684, %dma_start3A_691] : memref<2x4x200xi32, #tpu.memory_space<vmem>> -> memref<1x1x96xi32, #tpu.memory_space<vmem>>
        %dma_start3A_693 = tpu.memref_squeeze %dma_start3A_692 : memref<1x1x96xi32, #tpu.memory_space<vmem>> -> memref<96xi32, #tpu.memory_space<vmem>>
        %dma_start3A_694 = arith.constant 0 : i32
        %dma_start3A_695 = arith.constant 0 : i32
        %dma_start3A_696 = tpu.memref_slice %arg3[%dma_start3A_694, %dma_start3A_695] : memref<1000000x32xf32, #tpu.memory_space<hbm>> -> memref<1000000x32xf32, #tpu.memory_space<hbm>>
        tpu.enqueue_indirect_dma source(%dma_start3A_696 : memref<1000000x32xf32, #tpu.memory_space<hbm>>) target(%dma_start3A_690 : memref<96x32xf32, #tpu.memory_space<vmem>>) offsets(%dma_start3A_693 : memref<96xi32, #tpu.memory_space<vmem>>) semaphore(%arg8 : memref<!tpu.dma_semaphore, #tpu.memory_space<semaphore_mem>>)
        %dma_start3A_697 = arith.constant 0 : i32
        %dma_start3A_698 = arith.constant 2 : i32
        %dma_start3A_699 = arith.constant 0 : i32
        %dma_start3A_700 = arith.constant 2 : i32
        %dma_start3A_701 = arith.constant 0 : i32
        %dma_start3A_702 = arith.constant 0 : i32
        %dma_start3A_703 = tpu.memref_slice %arg6[%dma_start3A_699, %dma_start3A_700, %dma_start3A_701, %dma_start3A_702] : memref<2x4x200x32xf32, #tpu.memory_space<vmem>> -> memref<1x1x104x32xf32, #tpu.memory_space<vmem>>
        %dma_start3A_704 = tpu.memref_squeeze %dma_start3A_703 : memref<1x1x104x32xf32, #tpu.memory_space<vmem>> -> memref<104x32xf32, #tpu.memory_space<vmem>>
        %dma_start3A_705 = arith.constant 0 : i32
        %dma_start3A_706 = tpu.memref_slice %arg5[%dma_start3A_697, %dma_start3A_698, %dma_start3A_705] : memref<2x4x200xi32, #tpu.memory_space<vmem>> -> memref<1x1x104xi32, #tpu.memory_space<vmem>>
        %dma_start3A_707 = tpu.memref_squeeze %dma_start3A_706 : memref<1x1x104xi32, #tpu.memory_space<vmem>> -> memref<104xi32, #tpu.memory_space<vmem>>
        %dma_start3A_708 = arith.constant 0 : i32
        %dma_start3A_709 = arith.constant 0 : i32
        %dma_start3A_710 = tpu.memref_slice %arg3[%dma_start3A_708, %dma_start3A_709] : memref<1000000x32xf32, #tpu.memory_space<hbm>> -> memref<1000000x32xf32, #tpu.memory_space<hbm>>
        tpu.enqueue_indirect_dma source(%dma_start3A_710 : memref<1000000x32xf32, #tpu.memory_space<hbm>>) target(%dma_start3A_704 : memref<104x32xf32, #tpu.memory_space<vmem>>) offsets(%dma_start3A_707 : memref<104xi32, #tpu.memory_space<vmem>>) semaphore(%arg8 : memref<!tpu.dma_semaphore, #tpu.memory_space<semaphore_mem>>)
        %dma_start3A_711 = arith.constant 0 : i32
        %dma_start3A_712 = arith.constant 2 : i32
        %dma_start3A_713 = arith.constant 0 : i32
        %dma_start3A_714 = arith.constant 2 : i32
        %dma_start3A_715 = arith.constant 104 : i32
        %dma_start3A_716 = arith.constant 0 : i32
        %dma_start3A_717 = tpu.memref_slice %arg6[%dma_start3A_713, %dma_start3A_714, %dma_start3A_715, %dma_start3A_716] : memref<2x4x200x32xf32, #tpu.memory_space<vmem>> -> memref<1x1x96x32xf32, #tpu.memory_space<vmem>>
        %dma_start3A_718 = tpu.memref_squeeze %dma_start3A_717 : memref<1x1x96x32xf32, #tpu.memory_space<vmem>> -> memref<96x32xf32, #tpu.memory_space<vmem>>
        %dma_start3A_719 = arith.constant 104 : i32
        %dma_start3A_720 = tpu.memref_slice %arg5[%dma_start3A_711, %dma_start3A_712, %dma_start3A_719] : memref<2x4x200xi32, #tpu.memory_space<vmem>> -> memref<1x1x96xi32, #tpu.memory_space<vmem>>
        %dma_start3A_721 = tpu.memref_squeeze %dma_start3A_720 : memref<1x1x96xi32, #tpu.memory_space<vmem>> -> memref<96xi32, #tpu.memory_space<vmem>>
        %dma_start3A_722 = arith.constant 0 : i32
        %dma_start3A_723 = arith.constant 0 : i32
        %dma_start3A_724 = tpu.memref_slice %arg3[%dma_start3A_722, %dma_start3A_723] : memref<1000000x32xf32, #tpu.memory_space<hbm>> -> memref<1000000x32xf32, #tpu.memory_space<hbm>>
        tpu.enqueue_indirect_dma source(%dma_start3A_724 : memref<1000000x32xf32, #tpu.memory_space<hbm>>) target(%dma_start3A_718 : memref<96x32xf32, #tpu.memory_space<vmem>>) offsets(%dma_start3A_721 : memref<96xi32, #tpu.memory_space<vmem>>) semaphore(%arg8 : memref<!tpu.dma_semaphore, #tpu.memory_space<semaphore_mem>>)
        %dma_start3A_725 = arith.constant 0 : i32
        %dma_start3A_726 = arith.constant 3 : i32
        %dma_start3A_727 = arith.constant 0 : i32
        %dma_start3A_728 = arith.constant 3 : i32
        %dma_start3A_729 = arith.constant 0 : i32
        %dma_start3A_730 = arith.constant 0 : i32
        %dma_start3A_731 = tpu.memref_slice %arg6[%dma_start3A_727, %dma_start3A_728, %dma_start3A_729, %dma_start3A_730] : memref<2x4x200x32xf32, #tpu.memory_space<vmem>> -> memref<1x1x104x32xf32, #tpu.memory_space<vmem>>
        %dma_start3A_732 = tpu.memref_squeeze %dma_start3A_731 : memref<1x1x104x32xf32, #tpu.memory_space<vmem>> -> memref<104x32xf32, #tpu.memory_space<vmem>>
        %dma_start3A_733 = arith.constant 0 : i32
        %dma_start3A_734 = tpu.memref_slice %arg5[%dma_start3A_725, %dma_start3A_726, %dma_start3A_733] : memref<2x4x200xi32, #tpu.memory_space<vmem>> -> memref<1x1x104xi32, #tpu.memory_space<vmem>>
        %dma_start3A_735 = tpu.memref_squeeze %dma_start3A_734 : memref<1x1x104xi32, #tpu.memory_space<vmem>> -> memref<104xi32, #tpu.memory_space<vmem>>
        %dma_start3A_736 = arith.constant 0 : i32
        %dma_start3A_737 = arith.constant 0 : i32
        %dma_start3A_738 = tpu.memref_slice %arg3[%dma_start3A_736, %dma_start3A_737] : memref<1000000x32xf32, #tpu.memory_space<hbm>> -> memref<1000000x32xf32, #tpu.memory_space<hbm>>
        tpu.enqueue_indirect_dma source(%dma_start3A_738 : memref<1000000x32xf32, #tpu.memory_space<hbm>>) target(%dma_start3A_732 : memref<104x32xf32, #tpu.memory_space<vmem>>) offsets(%dma_start3A_735 : memref<104xi32, #tpu.memory_space<vmem>>) semaphore(%arg8 : memref<!tpu.dma_semaphore, #tpu.memory_space<semaphore_mem>>)
        %dma_start3A_739 = arith.constant 0 : i32
        %dma_start3A_740 = arith.constant 3 : i32
        %dma_start3A_741 = arith.constant 0 : i32
        %dma_start3A_742 = arith.constant 3 : i32
        %dma_start3A_743 = arith.constant 104 : i32
        %dma_start3A_744 = arith.constant 0 : i32
        %dma_start3A_745 = tpu.memref_slice %arg6[%dma_start3A_741, %dma_start3A_742, %dma_start3A_743, %dma_start3A_744] : memref<2x4x200x32xf32, #tpu.memory_space<vmem>> -> memref<1x1x96x32xf32, #tpu.memory_space<vmem>>
        %dma_start3A_746 = tpu.memref_squeeze %dma_start3A_745 : memref<1x1x96x32xf32, #tpu.memory_space<vmem>> -> memref<96x32xf32, #tpu.memory_space<vmem>>
        %dma_start3A_747 = arith.constant 104 : i32
        %dma_start3A_748 = tpu.memref_slice %arg5[%dma_start3A_739, %dma_start3A_740, %dma_start3A_747] : memref<2x4x200xi32, #tpu.memory_space<vmem>> -> memref<1x1x96xi32, #tpu.memory_space<vmem>>
        %dma_start3A_749 = tpu.memref_squeeze %dma_start3A_748 : memref<1x1x96xi32, #tpu.memory_space<vmem>> -> memref<96xi32, #tpu.memory_space<vmem>>
        %dma_start3A_750 = arith.constant 0 : i32
        %dma_start3A_751 = arith.constant 0 : i32
        %dma_start3A_752 = tpu.memref_slice %arg3[%dma_start3A_750, %dma_start3A_751] : memref<1000000x32xf32, #tpu.memory_space<hbm>> -> memref<1000000x32xf32, #tpu.memory_space<hbm>>
        tpu.enqueue_indirect_dma source(%dma_start3A_752 : memref<1000000x32xf32, #tpu.memory_space<hbm>>) target(%dma_start3A_746 : memref<96x32xf32, #tpu.memory_space<vmem>>) offsets(%dma_start3A_749 : memref<96xi32, #tpu.memory_space<vmem>>) semaphore(%arg8 : memref<!tpu.dma_semaphore, #tpu.memory_space<semaphore_mem>>)
      } else {
      }
      %dma_wait3A_400 = arith.constant 1 : i32
      %dma_wait3A_401 = arith.constant 0 : i32
      %dma_wait3A_402 = arith.constant 1 : i32
      %dma_wait3A_403 = arith.constant 0 : i32
      %dma_wait3A_404 = arith.constant 0 : i32
      %dma_wait3A_405 = arith.constant 0 : i32
      %dma_wait3A_406 = tpu.memref_slice %arg6[%dma_wait3A_402, %dma_wait3A_403, %dma_wait3A_404, %dma_wait3A_405] : memref<2x4x200x32xf32, #tpu.memory_space<vmem>> -> memref<1x1x104x32xf32, #tpu.memory_space<vmem>>
      %dma_wait3A_407 = tpu.memref_squeeze %dma_wait3A_406 : memref<1x1x104x32xf32, #tpu.memory_space<vmem>> -> memref<104x32xf32, #tpu.memory_space<vmem>>
      %dma_wait3A_408 = arith.constant 0 : i32
      %dma_wait3A_409 = tpu.memref_slice %arg5[%dma_wait3A_400, %dma_wait3A_401, %dma_wait3A_408] : memref<2x4x200xi32, #tpu.memory_space<vmem>> -> memref<1x1x104xi32, #tpu.memory_space<vmem>>
      %dma_wait3A_410 = tpu.memref_squeeze %dma_wait3A_409 : memref<1x1x104xi32, #tpu.memory_space<vmem>> -> memref<104xi32, #tpu.memory_space<vmem>>
      %dma_wait3A_411 = arith.constant 0 : i32
      %dma_wait3A_412 = arith.constant 0 : i32
      %dma_wait3A_413 = tpu.memref_slice %arg3[%dma_wait3A_411, %dma_wait3A_412] : memref<1000000x32xf32, #tpu.memory_space<hbm>> -> memref<1000000x32xf32, #tpu.memory_space<hbm>>
      tpu.wait_indirect_dma semaphore(%arg9 : memref<!tpu.dma_semaphore, #tpu.memory_space<semaphore_mem>>) src(%dma_wait3A_413 : memref<1000000x32xf32, #tpu.memory_space<hbm>>) dst(%dma_wait3A_407 : memref<104x32xf32, #tpu.memory_space<vmem>>)
      %dma_wait3A_414 = arith.constant 1 : i32
      %dma_wait3A_415 = arith.constant 0 : i32
      %dma_wait3A_416 = arith.constant 1 : i32
      %dma_wait3A_417 = arith.constant 0 : i32
      %dma_wait3A_418 = arith.constant 104 : i32
      %dma_wait3A_419 = arith.constant 0 : i32
      %dma_wait3A_420 = tpu.memref_slice %arg6[%dma_wait3A_416, %dma_wait3A_417, %dma_wait3A_418, %dma_wait3A_419] : memref<2x4x200x32xf32, #tpu.memory_space<vmem>> -> memref<1x1x96x32xf32, #tpu.memory_space<vmem>>
      %dma_wait3A_421 = tpu.memref_squeeze %dma_wait3A_420 : memref<1x1x96x32xf32, #tpu.memory_space<vmem>> -> memref<96x32xf32, #tpu.memory_space<vmem>>
      %dma_wait3A_422 = arith.constant 104 : i32
      %dma_wait3A_423 = tpu.memref_slice %arg5[%dma_wait3A_414, %dma_wait3A_415, %dma_wait3A_422] : memref<2x4x200xi32, #tpu.memory_space<vmem>> -> memref<1x1x96xi32, #tpu.memory_space<vmem>>
      %dma_wait3A_424 = tpu.memref_squeeze %dma_wait3A_423 : memref<1x1x96xi32, #tpu.memory_space<vmem>> -> memref<96xi32, #tpu.memory_space<vmem>>
      %dma_wait3A_425 = arith.constant 0 : i32
      %dma_wait3A_426 = arith.constant 0 : i32
      %dma_wait3A_427 = tpu.memref_slice %arg3[%dma_wait3A_425, %dma_wait3A_426] : memref<1000000x32xf32, #tpu.memory_space<hbm>> -> memref<1000000x32xf32, #tpu.memory_space<hbm>>
      tpu.wait_indirect_dma semaphore(%arg9 : memref<!tpu.dma_semaphore, #tpu.memory_space<semaphore_mem>>) src(%dma_wait3A_427 : memref<1000000x32xf32, #tpu.memory_space<hbm>>) dst(%dma_wait3A_421 : memref<96x32xf32, #tpu.memory_space<vmem>>)
      %dma_wait3A_428 = arith.constant 1 : i32
      %dma_wait3A_429 = arith.constant 1 : i32
      %dma_wait3A_430 = arith.constant 1 : i32
      %dma_wait3A_431 = arith.constant 1 : i32
      %dma_wait3A_432 = arith.constant 0 : i32
      %dma_wait3A_433 = arith.constant 0 : i32
      %dma_wait3A_434 = tpu.memref_slice %arg6[%dma_wait3A_430, %dma_wait3A_431, %dma_wait3A_432, %dma_wait3A_433] : memref<2x4x200x32xf32, #tpu.memory_space<vmem>> -> memref<1x1x104x32xf32, #tpu.memory_space<vmem>>
      %dma_wait3A_435 = tpu.memref_squeeze %dma_wait3A_434 : memref<1x1x104x32xf32, #tpu.memory_space<vmem>> -> memref<104x32xf32, #tpu.memory_space<vmem>>
      %dma_wait3A_436 = arith.constant 0 : i32
      %dma_wait3A_437 = tpu.memref_slice %arg5[%dma_wait3A_428, %dma_wait3A_429, %dma_wait3A_436] : memref<2x4x200xi32, #tpu.memory_space<vmem>> -> memref<1x1x104xi32, #tpu.memory_space<vmem>>
      %dma_wait3A_438 = tpu.memref_squeeze %dma_wait3A_437 : memref<1x1x104xi32, #tpu.memory_space<vmem>> -> memref<104xi32, #tpu.memory_space<vmem>>
      %dma_wait3A_439 = arith.constant 0 : i32
      %dma_wait3A_440 = arith.constant 0 : i32
      %dma_wait3A_441 = tpu.memref_slice %arg3[%dma_wait3A_439, %dma_wait3A_440] : memref<1000000x32xf32, #tpu.memory_space<hbm>> -> memref<1000000x32xf32, #tpu.memory_space<hbm>>
      tpu.wait_indirect_dma semaphore(%arg9 : memref<!tpu.dma_semaphore, #tpu.memory_space<semaphore_mem>>) src(%dma_wait3A_441 : memref<1000000x32xf32, #tpu.memory_space<hbm>>) dst(%dma_wait3A_435 : memref<104x32xf32, #tpu.memory_space<vmem>>)
      %dma_wait3A_442 = arith.constant 1 : i32
      %dma_wait3A_443 = arith.constant 1 : i32
      %dma_wait3A_444 = arith.constant 1 : i32
      %dma_wait3A_445 = arith.constant 1 : i32
      %dma_wait3A_446 = arith.constant 104 : i32
      %dma_wait3A_447 = arith.constant 0 : i32
      %dma_wait3A_448 = tpu.memref_slice %arg6[%dma_wait3A_444, %dma_wait3A_445, %dma_wait3A_446, %dma_wait3A_447] : memref<2x4x200x32xf32, #tpu.memory_space<vmem>> -> memref<1x1x96x32xf32, #tpu.memory_space<vmem>>
      %dma_wait3A_449 = tpu.memref_squeeze %dma_wait3A_448 : memref<1x1x96x32xf32, #tpu.memory_space<vmem>> -> memref<96x32xf32, #tpu.memory_space<vmem>>
      %dma_wait3A_450 = arith.constant 104 : i32
      %dma_wait3A_451 = tpu.memref_slice %arg5[%dma_wait3A_442, %dma_wait3A_443, %dma_wait3A_450] : memref<2x4x200xi32, #tpu.memory_space<vmem>> -> memref<1x1x96xi32, #tpu.memory_space<vmem>>
      %dma_wait3A_452 = tpu.memref_squeeze %dma_wait3A_451 : memref<1x1x96xi32, #tpu.memory_space<vmem>> -> memref<96xi32, #tpu.memory_space<vmem>>
      %dma_wait3A_453 = arith.constant 0 : i32
      %dma_wait3A_454 = arith.constant 0 : i32
      %dma_wait3A_455 = tpu.memref_slice %arg3[%dma_wait3A_453, %dma_wait3A_454] : memref<1000000x32xf32, #tpu.memory_space<hbm>> -> memref<1000000x32xf32, #tpu.memory_space<hbm>>
      tpu.wait_indirect_dma semaphore(%arg9 : memref<!tpu.dma_semaphore, #tpu.memory_space<semaphore_mem>>) src(%dma_wait3A_455 : memref<1000000x32xf32, #tpu.memory_space<hbm>>) dst(%dma_wait3A_449 : memref<96x32xf32, #tpu.memory_space<vmem>>)
      %dma_wait3A_456 = arith.constant 1 : i32
      %dma_wait3A_457 = arith.constant 2 : i32
      %dma_wait3A_458 = arith.constant 1 : i32
      %dma_wait3A_459 = arith.constant 2 : i32
      %dma_wait3A_460 = arith.constant 0 : i32
      %dma_wait3A_461 = arith.constant 0 : i32
      %dma_wait3A_462 = tpu.memref_slice %arg6[%dma_wait3A_458, %dma_wait3A_459, %dma_wait3A_460, %dma_wait3A_461] : memref<2x4x200x32xf32, #tpu.memory_space<vmem>> -> memref<1x1x104x32xf32, #tpu.memory_space<vmem>>
      %dma_wait3A_463 = tpu.memref_squeeze %dma_wait3A_462 : memref<1x1x104x32xf32, #tpu.memory_space<vmem>> -> memref<104x32xf32, #tpu.memory_space<vmem>>
      %dma_wait3A_464 = arith.constant 0 : i32
      %dma_wait3A_465 = tpu.memref_slice %arg5[%dma_wait3A_456, %dma_wait3A_457, %dma_wait3A_464] : memref<2x4x200xi32, #tpu.memory_space<vmem>> -> memref<1x1x104xi32, #tpu.memory_space<vmem>>
      %dma_wait3A_466 = tpu.memref_squeeze %dma_wait3A_465 : memref<1x1x104xi32, #tpu.memory_space<vmem>> -> memref<104xi32, #tpu.memory_space<vmem>>
      %dma_wait3A_467 = arith.constant 0 : i32
      %dma_wait3A_468 = arith.constant 0 : i32
      %dma_wait3A_469 = tpu.memref_slice %arg3[%dma_wait3A_467, %dma_wait3A_468] : memref<1000000x32xf32, #tpu.memory_space<hbm>> -> memref<1000000x32xf32, #tpu.memory_space<hbm>>
      tpu.wait_indirect_dma semaphore(%arg9 : memref<!tpu.dma_semaphore, #tpu.memory_space<semaphore_mem>>) src(%dma_wait3A_469 : memref<1000000x32xf32, #tpu.memory_space<hbm>>) dst(%dma_wait3A_463 : memref<104x32xf32, #tpu.memory_space<vmem>>)
      %dma_wait3A_470 = arith.constant 1 : i32
      %dma_wait3A_471 = arith.constant 2 : i32
      %dma_wait3A_472 = arith.constant 1 : i32
      %dma_wait3A_473 = arith.constant 2 : i32
      %dma_wait3A_474 = arith.constant 104 : i32
      %dma_wait3A_475 = arith.constant 0 : i32
      %dma_wait3A_476 = tpu.memref_slice %arg6[%dma_wait3A_472, %dma_wait3A_473, %dma_wait3A_474, %dma_wait3A_475] : memref<2x4x200x32xf32, #tpu.memory_space<vmem>> -> memref<1x1x96x32xf32, #tpu.memory_space<vmem>>
      %dma_wait3A_477 = tpu.memref_squeeze %dma_wait3A_476 : memref<1x1x96x32xf32, #tpu.memory_space<vmem>> -> memref<96x32xf32, #tpu.memory_space<vmem>>
      %dma_wait3A_478 = arith.constant 104 : i32
      %dma_wait3A_479 = tpu.memref_slice %arg5[%dma_wait3A_470, %dma_wait3A_471, %dma_wait3A_478] : memref<2x4x200xi32, #tpu.memory_space<vmem>> -> memref<1x1x96xi32, #tpu.memory_space<vmem>>
      %dma_wait3A_480 = tpu.memref_squeeze %dma_wait3A_479 : memref<1x1x96xi32, #tpu.memory_space<vmem>> -> memref<96xi32, #tpu.memory_space<vmem>>
      %dma_wait3A_481 = arith.constant 0 : i32
      %dma_wait3A_482 = arith.constant 0 : i32
      %dma_wait3A_483 = tpu.memref_slice %arg3[%dma_wait3A_481, %dma_wait3A_482] : memref<1000000x32xf32, #tpu.memory_space<hbm>> -> memref<1000000x32xf32, #tpu.memory_space<hbm>>
      tpu.wait_indirect_dma semaphore(%arg9 : memref<!tpu.dma_semaphore, #tpu.memory_space<semaphore_mem>>) src(%dma_wait3A_483 : memref<1000000x32xf32, #tpu.memory_space<hbm>>) dst(%dma_wait3A_477 : memref<96x32xf32, #tpu.memory_space<vmem>>)
      %dma_wait3A_484 = arith.constant 1 : i32
      %dma_wait3A_485 = arith.constant 3 : i32
      %dma_wait3A_486 = arith.constant 1 : i32
      %dma_wait3A_487 = arith.constant 3 : i32
      %dma_wait3A_488 = arith.constant 0 : i32
      %dma_wait3A_489 = arith.constant 0 : i32
      %dma_wait3A_490 = tpu.memref_slice %arg6[%dma_wait3A_486, %dma_wait3A_487, %dma_wait3A_488, %dma_wait3A_489] : memref<2x4x200x32xf32, #tpu.memory_space<vmem>> -> memref<1x1x104x32xf32, #tpu.memory_space<vmem>>
      %dma_wait3A_491 = tpu.memref_squeeze %dma_wait3A_490 : memref<1x1x104x32xf32, #tpu.memory_space<vmem>> -> memref<104x32xf32, #tpu.memory_space<vmem>>
      %dma_wait3A_492 = arith.constant 0 : i32
      %dma_wait3A_493 = tpu.memref_slice %arg5[%dma_wait3A_484, %dma_wait3A_485, %dma_wait3A_492] : memref<2x4x200xi32, #tpu.memory_space<vmem>> -> memref<1x1x104xi32, #tpu.memory_space<vmem>>
      %dma_wait3A_494 = tpu.memref_squeeze %dma_wait3A_493 : memref<1x1x104xi32, #tpu.memory_space<vmem>> -> memref<104xi32, #tpu.memory_space<vmem>>
      %dma_wait3A_495 = arith.constant 0 : i32
      %dma_wait3A_496 = arith.constant 0 : i32
      %dma_wait3A_497 = tpu.memref_slice %arg3[%dma_wait3A_495, %dma_wait3A_496] : memref<1000000x32xf32, #tpu.memory_space<hbm>> -> memref<1000000x32xf32, #tpu.memory_space<hbm>>
      tpu.wait_indirect_dma semaphore(%arg9 : memref<!tpu.dma_semaphore, #tpu.memory_space<semaphore_mem>>) src(%dma_wait3A_497 : memref<1000000x32xf32, #tpu.memory_space<hbm>>) dst(%dma_wait3A_491 : memref<104x32xf32, #tpu.memory_space<vmem>>)
      %dma_wait3A_498 = arith.constant 1 : i32
      %dma_wait3A_499 = arith.constant 3 : i32
      %dma_wait3A_500 = arith.constant 1 : i32
      %dma_wait3A_501 = arith.constant 3 : i32
      %dma_wait3A_502 = arith.constant 104 : i32
      %dma_wait3A_503 = arith.constant 0 : i32
      %dma_wait3A_504 = tpu.memref_slice %arg6[%dma_wait3A_500, %dma_wait3A_501, %dma_wait3A_502, %dma_wait3A_503] : memref<2x4x200x32xf32, #tpu.memory_space<vmem>> -> memref<1x1x96x32xf32, #tpu.memory_space<vmem>>
      %dma_wait3A_505 = tpu.memref_squeeze %dma_wait3A_504 : memref<1x1x96x32xf32, #tpu.memory_space<vmem>> -> memref<96x32xf32, #tpu.memory_space<vmem>>
      %dma_wait3A_506 = arith.constant 104 : i32
      %dma_wait3A_507 = tpu.memref_slice %arg5[%dma_wait3A_498, %dma_wait3A_499, %dma_wait3A_506] : memref<2x4x200xi32, #tpu.memory_space<vmem>> -> memref<1x1x96xi32, #tpu.memory_space<vmem>>
      %dma_wait3A_508 = tpu.memref_squeeze %dma_wait3A_507 : memref<1x1x96xi32, #tpu.memory_space<vmem>> -> memref<96xi32, #tpu.memory_space<vmem>>
      %dma_wait3A_509 = arith.constant 0 : i32
      %dma_wait3A_510 = arith.constant 0 : i32
      %dma_wait3A_511 = tpu.memref_slice %arg3[%dma_wait3A_509, %dma_wait3A_510] : memref<1000000x32xf32, #tpu.memory_space<hbm>> -> memref<1000000x32xf32, #tpu.memory_space<hbm>>
      tpu.wait_indirect_dma semaphore(%arg9 : memref<!tpu.dma_semaphore, #tpu.memory_space<semaphore_mem>>) src(%dma_wait3A_511 : memref<1000000x32xf32, #tpu.memory_space<hbm>>) dst(%dma_wait3A_505 : memref<96x32xf32, #tpu.memory_space<vmem>>)
      %add3A_512 = arith.constant 2 : i32
      %add3A_513 = arith.addi %add3A_392, %add3A_512 : i32
      %lt3A_514 = arith.constant 128 : i32
      %lt3A_515 = arith.cmpi slt, %add3A_513, %lt3A_514 : i32
      %convert_element_type3A_516 = arith.extui %lt3A_515 : i1 to i32
      %cond3A_517 = arith.constant 0 : i32
      %cond3A_518 = arith.cmpi ne, %convert_element_type3A_516, %cond3A_517 : i32
      scf.if %cond3A_518 {
        %add3A_623 = arith.constant 2 : i32
        %add3A_624 = arith.addi %add3A_392, %add3A_623 : i32
        %mul3A_625 = arith.constant 4 : i32
        %mul3A_626 = arith.muli %add3A_624, %mul3A_625 : i32
        %add3A_627 = arith.addi %mul3A_2, %mul3A_626 : i32
        %dma_start3A_628 = arith.constant 1 : i32
        %dma_start3A_629 = arith.constant 0 : i32
        %dma_start3A_630 = arith.constant 0 : i32
        %dma_start3A_631 = tpu.memref_slice %arg5[%dma_start3A_628, %dma_start3A_629, %dma_start3A_630] : memref<2x4x200xi32, #tpu.memory_space<vmem>> -> memref<1x4x200xi32, #tpu.memory_space<vmem>>
        %dma_start3A_632 = tpu.memref_squeeze %dma_start3A_631 : memref<1x4x200xi32, #tpu.memory_space<vmem>> -> memref<4x200xi32, #tpu.memory_space<vmem>>
        %dma_start3A_633 = arith.constant 0 : i32
        %dma_start3A_634 = tpu.memref_slice %arg2[%add3A_627, %dma_start3A_633] : memref<16384x200xi32, #tpu.memory_space<hbm>> -> memref<4x200xi32, #tpu.memory_space<hbm>>
        %dma_start3A_635 = arith.constant 0 : i32
        %dma_start3A_636 = arith.constant 0 : i32
        %dma_start3A_637 = tpu.memref_slice %arg5[%dma_start3A_628, %dma_start3A_635, %dma_start3A_636] : memref<2x4x200xi32, #tpu.memory_space<vmem>> -> memref<1x4x200xi32, #tpu.memory_space<vmem>>
        %dma_start3A_638 = tpu.memref_squeeze %dma_start3A_637 : memref<1x4x200xi32, #tpu.memory_space<vmem>> -> memref<4x200xi32, #tpu.memory_space<vmem>>
        %dma_start3A_639 = arith.constant 0 : i32
        %dma_start3A_640 = tpu.memref_slice %arg2[%add3A_627, %dma_start3A_639] : memref<16384x200xi32, #tpu.memory_space<hbm>> -> memref<4x200xi32, #tpu.memory_space<hbm>>
        tpu.enqueue_dma source(%dma_start3A_640 : memref<4x200xi32, #tpu.memory_space<hbm>>) target(%dma_start3A_638 : memref<4x200xi32, #tpu.memory_space<vmem>>) target_semaphore(%arg11 : memref<!tpu.dma_semaphore, #tpu.memory_space<semaphore_mem>>)
      } else {
      }
      %broadcast_in_dim3A_519 = arith.constant 0.000000e+00 : f32
      %broadcast_in_dim3A_520 = vector.broadcast %broadcast_in_dim3A_519 : f32 to vector<16xf32>
      %scan3A_521 = arith.constant 0 : i32
      %scan3A_522 = arith.constant 200 : i32
      %scan3A_523 = arith.addi %scan3A_521, %scan3A_522 : i32
      %scan3A_524 = arith.constant 2 : i32
      %scan3A_525:8 = scf.for %scan3A_623 = %scan3A_521 to %scan3A_523 step %scan3A_524 iter_args(%scan3A_624 = %broadcast_in_dim3A_520, %scan3A_625 = %broadcast_in_dim3A_520, %scan3A_626 = %broadcast_in_dim3A_520, %scan3A_627 = %broadcast_in_dim3A_520, %scan3A_628 = %broadcast_in_dim3A_520, %scan3A_629 = %broadcast_in_dim3A_520, %scan3A_630 = %broadcast_in_dim3A_520, %scan3A_631 = %broadcast_in_dim3A_520) -> (vector<16xf32>, vector<16xf32>, vector<16xf32>, vector<16xf32>, vector<16xf32>, vector<16xf32>, vector<16xf32>, vector<16xf32>)  : i32 {
        %get3A = arith.constant 1 : i32
        %get3A_632 = arith.constant 0 : i32
        %get3A_633 = arith.index_cast %get3A : i32 to index
        %get3A_634 = arith.index_cast %get3A_632 : i32 to index
        %get3A_635 = arith.index_cast %scan3A_623 : i32 to index
        %get3A_636 = arith.constant 0 : index
        %get3A_637 = tpu.vector_load %arg6[%get3A_633, %get3A_634, %get3A_635, %get3A_636] {strides = array<i32>} : memref<2x4x200x32xf32, #tpu.memory_space<vmem>>, vector<1x1x1x16xf32>,
        %get3A_638 = vector.shape_cast %get3A_637 : vector<1x1x1x16xf32> to vector<16xf32>
        %add3A_639 = arith.addf %scan3A_624, %get3A_638 : vector<16xf32>
        %get3A_640 = arith.constant 1 : i32
        %get3A_641 = arith.constant 0 : i32
        %get3A_642 = arith.index_cast %get3A_640 : i32 to index
        %get3A_643 = arith.index_cast %get3A_641 : i32 to index
        %get3A_644 = arith.index_cast %scan3A_623 : i32 to index
        %get3A_645 = arith.constant 16 : index
        %get3A_646 = tpu.vector_load %arg6[%get3A_642, %get3A_643, %get3A_644, %get3A_645] {strides = array<i32>} : memref<2x4x200x32xf32, #tpu.memory_space<vmem>>, vector<1x1x1x16xf32>,
        %get3A_647 = vector.shape_cast %get3A_646 : vector<1x1x1x16xf32> to vector<16xf32>
        %add3A_648 = arith.addf %scan3A_625, %get3A_647 : vector<16xf32>
        %get3A_649 = arith.constant 1 : i32
        %get3A_650 = arith.constant 1 : i32
        %get3A_651 = arith.index_cast %get3A_649 : i32 to index
        %get3A_652 = arith.index_cast %get3A_650 : i32 to index
        %get3A_653 = arith.index_cast %scan3A_623 : i32 to index
        %get3A_654 = arith.constant 0 : index
        %get3A_655 = tpu.vector_load %arg6[%get3A_651, %get3A_652, %get3A_653, %get3A_654] {strides = array<i32>} : memref<2x4x200x32xf32, #tpu.memory_space<vmem>>, vector<1x1x1x16xf32>,
        %get3A_656 = vector.shape_cast %get3A_655 : vector<1x1x1x16xf32> to vector<16xf32>
        %add3A_657 = arith.addf %scan3A_626, %get3A_656 : vector<16xf32>
        %get3A_658 = arith.constant 1 : i32
        %get3A_659 = arith.constant 1 : i32
        %get3A_660 = arith.index_cast %get3A_658 : i32 to index
        %get3A_661 = arith.index_cast %get3A_659 : i32 to index
        %get3A_662 = arith.index_cast %scan3A_623 : i32 to index
        %get3A_663 = arith.constant 16 : index
        %get3A_664 = tpu.vector_load %arg6[%get3A_660, %get3A_661, %get3A_662, %get3A_663] {strides = array<i32>} : memref<2x4x200x32xf32, #tpu.memory_space<vmem>>, vector<1x1x1x16xf32>,
        %get3A_665 = vector.shape_cast %get3A_664 : vector<1x1x1x16xf32> to vector<16xf32>
        %add3A_666 = arith.addf %scan3A_627, %get3A_665 : vector<16xf32>
        %get3A_667 = arith.constant 1 : i32
        %get3A_668 = arith.constant 2 : i32
        %get3A_669 = arith.index_cast %get3A_667 : i32 to index
        %get3A_670 = arith.index_cast %get3A_668 : i32 to index
        %get3A_671 = arith.index_cast %scan3A_623 : i32 to index
        %get3A_672 = arith.constant 0 : index
        %get3A_673 = tpu.vector_load %arg6[%get3A_669, %get3A_670, %get3A_671, %get3A_672] {strides = array<i32>} : memref<2x4x200x32xf32, #tpu.memory_space<vmem>>, vector<1x1x1x16xf32>,
        %get3A_674 = vector.shape_cast %get3A_673 : vector<1x1x1x16xf32> to vector<16xf32>
        %add3A_675 = arith.addf %scan3A_628, %get3A_674 : vector<16xf32>
        %get3A_676 = arith.constant 1 : i32
        %get3A_677 = arith.constant 2 : i32
        %get3A_678 = arith.index_cast %get3A_676 : i32 to index
        %get3A_679 = arith.index_cast %get3A_677 : i32 to index
        %get3A_680 = arith.index_cast %scan3A_623 : i32 to index
        %get3A_681 = arith.constant 16 : index
        %get3A_682 = tpu.vector_load %arg6[%get3A_678, %get3A_679, %get3A_680, %get3A_681] {strides = array<i32>} : memref<2x4x200x32xf32, #tpu.memory_space<vmem>>, vector<1x1x1x16xf32>,
        %get3A_683 = vector.shape_cast %get3A_682 : vector<1x1x1x16xf32> to vector<16xf32>
        %add3A_684 = arith.addf %scan3A_629, %get3A_683 : vector<16xf32>
        %get3A_685 = arith.constant 1 : i32
        %get3A_686 = arith.constant 3 : i32
        %get3A_687 = arith.index_cast %get3A_685 : i32 to index
        %get3A_688 = arith.index_cast %get3A_686 : i32 to index
        %get3A_689 = arith.index_cast %scan3A_623 : i32 to index
        %get3A_690 = arith.constant 0 : index
        %get3A_691 = tpu.vector_load %arg6[%get3A_687, %get3A_688, %get3A_689, %get3A_690] {strides = array<i32>} : memref<2x4x200x32xf32, #tpu.memory_space<vmem>>, vector<1x1x1x16xf32>,
        %get3A_692 = vector.shape_cast %get3A_691 : vector<1x1x1x16xf32> to vector<16xf32>
        %add3A_693 = arith.addf %scan3A_630, %get3A_692 : vector<16xf32>
        %get3A_694 = arith.constant 1 : i32
        %get3A_695 = arith.constant 3 : i32
        %get3A_696 = arith.index_cast %get3A_694 : i32 to index
        %get3A_697 = arith.index_cast %get3A_695 : i32 to index
        %get3A_698 = arith.index_cast %scan3A_623 : i32 to index
        %get3A_699 = arith.constant 16 : index
        %get3A_700 = tpu.vector_load %arg6[%get3A_696, %get3A_697, %get3A_698, %get3A_699] {strides = array<i32>} : memref<2x4x200x32xf32, #tpu.memory_space<vmem>>, vector<1x1x1x16xf32>,
        %get3A_701 = vector.shape_cast %get3A_700 : vector<1x1x1x16xf32> to vector<16xf32>
        %add3A_702 = arith.addf %scan3A_631, %get3A_701 : vector<16xf32>
        %scan3A_703 = arith.constant 1 : i32
        %scan3A_704 = arith.addi %scan3A_623, %scan3A_703 : i32
        %get3A_705 = arith.constant 1 : i32
        %get3A_706 = arith.constant 0 : i32
        %get3A_707 = arith.index_cast %get3A_705 : i32 to index
        %get3A_708 = arith.index_cast %get3A_706 : i32 to index
        %get3A_709 = arith.index_cast %scan3A_704 : i32 to index
        %get3A_710 = arith.constant 0 : index
        %get3A_711 = tpu.vector_load %arg6[%get3A_707, %get3A_708, %get3A_709, %get3A_710] {strides = array<i32>} : memref<2x4x200x32xf32, #tpu.memory_space<vmem>>, vector<1x1x1x16xf32>,
        %get3A_712 = vector.shape_cast %get3A_711 : vector<1x1x1x16xf32> to vector<16xf32>
        %add3A_713 = arith.addf %add3A_639, %get3A_712 : vector<16xf32>
        %get3A_714 = arith.constant 1 : i32
        %get3A_715 = arith.constant 0 : i32
        %get3A_716 = arith.index_cast %get3A_714 : i32 to index
        %get3A_717 = arith.index_cast %get3A_715 : i32 to index
        %get3A_718 = arith.index_cast %scan3A_704 : i32 to index
        %get3A_719 = arith.constant 16 : index
        %get3A_720 = tpu.vector_load %arg6[%get3A_716, %get3A_717, %get3A_718, %get3A_719] {strides = array<i32>} : memref<2x4x200x32xf32, #tpu.memory_space<vmem>>, vector<1x1x1x16xf32>,
        %get3A_721 = vector.shape_cast %get3A_720 : vector<1x1x1x16xf32> to vector<16xf32>
        %add3A_722 = arith.addf %add3A_648, %get3A_721 : vector<16xf32>
        %get3A_723 = arith.constant 1 : i32
        %get3A_724 = arith.constant 1 : i32
        %get3A_725 = arith.index_cast %get3A_723 : i32 to index
        %get3A_726 = arith.index_cast %get3A_724 : i32 to index
        %get3A_727 = arith.index_cast %scan3A_704 : i32 to index
        %get3A_728 = arith.constant 0 : index
        %get3A_729 = tpu.vector_load %arg6[%get3A_725, %get3A_726, %get3A_727, %get3A_728] {strides = array<i32>} : memref<2x4x200x32xf32, #tpu.memory_space<vmem>>, vector<1x1x1x16xf32>,
        %get3A_730 = vector.shape_cast %get3A_729 : vector<1x1x1x16xf32> to vector<16xf32>
        %add3A_731 = arith.addf %add3A_657, %get3A_730 : vector<16xf32>
        %get3A_732 = arith.constant 1 : i32
        %get3A_733 = arith.constant 1 : i32
        %get3A_734 = arith.index_cast %get3A_732 : i32 to index
        %get3A_735 = arith.index_cast %get3A_733 : i32 to index
        %get3A_736 = arith.index_cast %scan3A_704 : i32 to index
        %get3A_737 = arith.constant 16 : index
        %get3A_738 = tpu.vector_load %arg6[%get3A_734, %get3A_735, %get3A_736, %get3A_737] {strides = array<i32>} : memref<2x4x200x32xf32, #tpu.memory_space<vmem>>, vector<1x1x1x16xf32>,
        %get3A_739 = vector.shape_cast %get3A_738 : vector<1x1x1x16xf32> to vector<16xf32>
        %add3A_740 = arith.addf %add3A_666, %get3A_739 : vector<16xf32>
        %get3A_741 = arith.constant 1 : i32
        %get3A_742 = arith.constant 2 : i32
        %get3A_743 = arith.index_cast %get3A_741 : i32 to index
        %get3A_744 = arith.index_cast %get3A_742 : i32 to index
        %get3A_745 = arith.index_cast %scan3A_704 : i32 to index
        %get3A_746 = arith.constant 0 : index
        %get3A_747 = tpu.vector_load %arg6[%get3A_743, %get3A_744, %get3A_745, %get3A_746] {strides = array<i32>} : memref<2x4x200x32xf32, #tpu.memory_space<vmem>>, vector<1x1x1x16xf32>,
        %get3A_748 = vector.shape_cast %get3A_747 : vector<1x1x1x16xf32> to vector<16xf32>
        %add3A_749 = arith.addf %add3A_675, %get3A_748 : vector<16xf32>
        %get3A_750 = arith.constant 1 : i32
        %get3A_751 = arith.constant 2 : i32
        %get3A_752 = arith.index_cast %get3A_750 : i32 to index
        %get3A_753 = arith.index_cast %get3A_751 : i32 to index
        %get3A_754 = arith.index_cast %scan3A_704 : i32 to index
        %get3A_755 = arith.constant 16 : index
        %get3A_756 = tpu.vector_load %arg6[%get3A_752, %get3A_753, %get3A_754, %get3A_755] {strides = array<i32>} : memref<2x4x200x32xf32, #tpu.memory_space<vmem>>, vector<1x1x1x16xf32>,
        %get3A_757 = vector.shape_cast %get3A_756 : vector<1x1x1x16xf32> to vector<16xf32>
        %add3A_758 = arith.addf %add3A_684, %get3A_757 : vector<16xf32>
        %get3A_759 = arith.constant 1 : i32
        %get3A_760 = arith.constant 3 : i32
        %get3A_761 = arith.index_cast %get3A_759 : i32 to index
        %get3A_762 = arith.index_cast %get3A_760 : i32 to index
        %get3A_763 = arith.index_cast %scan3A_704 : i32 to index
        %get3A_764 = arith.constant 0 : index
        %get3A_765 = tpu.vector_load %arg6[%get3A_761, %get3A_762, %get3A_763, %get3A_764] {strides = array<i32>} : memref<2x4x200x32xf32, #tpu.memory_space<vmem>>, vector<1x1x1x16xf32>,
        %get3A_766 = vector.shape_cast %get3A_765 : vector<1x1x1x16xf32> to vector<16xf32>
        %add3A_767 = arith.addf %add3A_693, %get3A_766 : vector<16xf32>
        %get3A_768 = arith.constant 1 : i32
        %get3A_769 = arith.constant 3 : i32
        %get3A_770 = arith.index_cast %get3A_768 : i32 to index
        %get3A_771 = arith.index_cast %get3A_769 : i32 to index
        %get3A_772 = arith.index_cast %scan3A_704 : i32 to index
        %get3A_773 = arith.constant 16 : index
        %get3A_774 = tpu.vector_load %arg6[%get3A_770, %get3A_771, %get3A_772, %get3A_773] {strides = array<i32>} : memref<2x4x200x32xf32, #tpu.memory_space<vmem>>, vector<1x1x1x16xf32>,
        %get3A_775 = vector.shape_cast %get3A_774 : vector<1x1x1x16xf32> to vector<16xf32>
        %add3A_776 = arith.addf %add3A_702, %get3A_775 : vector<16xf32>
        scf.yield %add3A_713, %add3A_722, %add3A_731, %add3A_740, %add3A_749, %add3A_758, %add3A_767, %add3A_776 : vector<16xf32>, vector<16xf32>, vector<16xf32>, vector<16xf32>, vector<16xf32>, vector<16xf32>, vector<16xf32>, vector<16xf32>
      }
      %scan3A_526 = arith.constant 200 : i32
      %mul3A_527 = arith.constant 5.000000e-03 : f32
      %mul3A_528 = vector.broadcast %mul3A_527 : f32 to vector<16xf32>
      %mul3A_529 = arith.mulf %scan3A_525#0, %mul3A_528 : vector<16xf32>
      %mul3A_530 = arith.constant 4 : i32
      %mul3A_531 = arith.muli %add3A_392, %mul3A_530 : i32
      %add3A_532 = arith.constant 0 : i32
      %add3A_533 = arith.addi %mul3A_531, %add3A_532 : i32
      %swap3A_534 = arith.index_cast %add3A_533 : i32 to index
      %swap3A_535 = arith.constant 0 : index
      %swap3A_536 = tpu.vector_load %arg7[%swap3A_534, %swap3A_535] {strides = array<i32>} : memref<512x32xf32, #tpu.memory_space<vmem>>, vector<1x16xf32>,
      %swap3A_537 = vector.shape_cast %swap3A_536 : vector<1x16xf32> to vector<16xf32>
      %swap3A_538 = vector.shape_cast %mul3A_529 : vector<16xf32> to vector<1x16xf32>
      tpu.vector_store %arg7[%swap3A_534, %swap3A_535], %swap3A_538 {strides = array<i32>} : memref<512x32xf32, #tpu.memory_space<vmem>>, vector<1x16xf32>,
      %mul3A_539 = arith.constant 5.000000e-03 : f32
      %mul3A_540 = vector.broadcast %mul3A_539 : f32 to vector<16xf32>
      %mul3A_541 = arith.mulf %scan3A_525#1, %mul3A_540 : vector<16xf32>
      %mul3A_542 = arith.constant 4 : i32
      %mul3A_543 = arith.muli %add3A_392, %mul3A_542 : i32
      %add3A_544 = arith.constant 0 : i32
      %add3A_545 = arith.addi %mul3A_543, %add3A_544 : i32
      %swap3A_546 = arith.index_cast %add3A_545 : i32 to index
      %swap3A_547 = arith.constant 16 : index
      %swap3A_548 = tpu.vector_load %arg7[%swap3A_546, %swap3A_547] {strides = array<i32>} : memref<512x32xf32, #tpu.memory_space<vmem>>, vector<1x16xf32>,
      %swap3A_549 = vector.shape_cast %swap3A_548 : vector<1x16xf32> to vector<16xf32>
      %swap3A_550 = vector.shape_cast %mul3A_541 : vector<16xf32> to vector<1x16xf32>
      tpu.vector_store %arg7[%swap3A_546, %swap3A_547], %swap3A_550 {strides = array<i32>} : memref<512x32xf32, #tpu.memory_space<vmem>>, vector<1x16xf32>,
      %mul3A_551 = arith.constant 5.000000e-03 : f32
      %mul3A_552 = vector.broadcast %mul3A_551 : f32 to vector<16xf32>
      %mul3A_553 = arith.mulf %scan3A_525#2, %mul3A_552 : vector<16xf32>
      %mul3A_554 = arith.constant 4 : i32
      %mul3A_555 = arith.muli %add3A_392, %mul3A_554 : i32
      %add3A_556 = arith.constant 1 : i32
      %add3A_557 = arith.addi %mul3A_555, %add3A_556 : i32
      %swap3A_558 = arith.index_cast %add3A_557 : i32 to index
      %swap3A_559 = arith.constant 0 : index
      %swap3A_560 = tpu.vector_load %arg7[%swap3A_558, %swap3A_559] {strides = array<i32>} : memref<512x32xf32, #tpu.memory_space<vmem>>, vector<1x16xf32>,
      %swap3A_561 = vector.shape_cast %swap3A_560 : vector<1x16xf32> to vector<16xf32>
      %swap3A_562 = vector.shape_cast %mul3A_553 : vector<16xf32> to vector<1x16xf32>
      tpu.vector_store %arg7[%swap3A_558, %swap3A_559], %swap3A_562 {strides = array<i32>} : memref<512x32xf32, #tpu.memory_space<vmem>>, vector<1x16xf32>,
      %mul3A_563 = arith.constant 5.000000e-03 : f32
      %mul3A_564 = vector.broadcast %mul3A_563 : f32 to vector<16xf32>
      %mul3A_565 = arith.mulf %scan3A_525#3, %mul3A_564 : vector<16xf32>
      %mul3A_566 = arith.constant 4 : i32
      %mul3A_567 = arith.muli %add3A_392, %mul3A_566 : i32
      %add3A_568 = arith.constant 1 : i32
      %add3A_569 = arith.addi %mul3A_567, %add3A_568 : i32
      %swap3A_570 = arith.index_cast %add3A_569 : i32 to index
      %swap3A_571 = arith.constant 16 : index
      %swap3A_572 = tpu.vector_load %arg7[%swap3A_570, %swap3A_571] {strides = array<i32>} : memref<512x32xf32, #tpu.memory_space<vmem>>, vector<1x16xf32>,
      %swap3A_573 = vector.shape_cast %swap3A_572 : vector<1x16xf32> to vector<16xf32>
      %swap3A_574 = vector.shape_cast %mul3A_565 : vector<16xf32> to vector<1x16xf32>
      tpu.vector_store %arg7[%swap3A_570, %swap3A_571], %swap3A_574 {strides = array<i32>} : memref<512x32xf32, #tpu.memory_space<vmem>>, vector<1x16xf32>,
      %mul3A_575 = arith.constant 5.000000e-03 : f32
      %mul3A_576 = vector.broadcast %mul3A_575 : f32 to vector<16xf32>
      %mul3A_577 = arith.mulf %scan3A_525#4, %mul3A_576 : vector<16xf32>
      %mul3A_578 = arith.constant 4 : i32
      %mul3A_579 = arith.muli %add3A_392, %mul3A_578 : i32
      %add3A_580 = arith.constant 2 : i32
      %add3A_581 = arith.addi %mul3A_579, %add3A_580 : i32
      %swap3A_582 = arith.index_cast %add3A_581 : i32 to index
      %swap3A_583 = arith.constant 0 : index
      %swap3A_584 = tpu.vector_load %arg7[%swap3A_582, %swap3A_583] {strides = array<i32>} : memref<512x32xf32, #tpu.memory_space<vmem>>, vector<1x16xf32>,
      %swap3A_585 = vector.shape_cast %swap3A_584 : vector<1x16xf32> to vector<16xf32>
      %swap3A_586 = vector.shape_cast %mul3A_577 : vector<16xf32> to vector<1x16xf32>
      tpu.vector_store %arg7[%swap3A_582, %swap3A_583], %swap3A_586 {strides = array<i32>} : memref<512x32xf32, #tpu.memory_space<vmem>>, vector<1x16xf32>,
      %mul3A_587 = arith.constant 5.000000e-03 : f32
      %mul3A_588 = vector.broadcast %mul3A_587 : f32 to vector<16xf32>
      %mul3A_589 = arith.mulf %scan3A_525#5, %mul3A_588 : vector<16xf32>
      %mul3A_590 = arith.constant 4 : i32
      %mul3A_591 = arith.muli %add3A_392, %mul3A_590 : i32
      %add3A_592 = arith.constant 2 : i32
      %add3A_593 = arith.addi %mul3A_591, %add3A_592 : i32
      %swap3A_594 = arith.index_cast %add3A_593 : i32 to index
      %swap3A_595 = arith.constant 16 : index
      %swap3A_596 = tpu.vector_load %arg7[%swap3A_594, %swap3A_595] {strides = array<i32>} : memref<512x32xf32, #tpu.memory_space<vmem>>, vector<1x16xf32>,
      %swap3A_597 = vector.shape_cast %swap3A_596 : vector<1x16xf32> to vector<16xf32>
      %swap3A_598 = vector.shape_cast %mul3A_589 : vector<16xf32> to vector<1x16xf32>
      tpu.vector_store %arg7[%swap3A_594, %swap3A_595], %swap3A_598 {strides = array<i32>} : memref<512x32xf32, #tpu.memory_space<vmem>>, vector<1x16xf32>,
      %mul3A_599 = arith.constant 5.000000e-03 : f32
      %mul3A_600 = vector.broadcast %mul3A_599 : f32 to vector<16xf32>
      %mul3A_601 = arith.mulf %scan3A_525#6, %mul3A_600 : vector<16xf32>
      %mul3A_602 = arith.constant 4 : i32
      %mul3A_603 = arith.muli %add3A_392, %mul3A_602 : i32
      %add3A_604 = arith.constant 3 : i32
      %add3A_605 = arith.addi %mul3A_603, %add3A_604 : i32
      %swap3A_606 = arith.index_cast %add3A_605 : i32 to index
      %swap3A_607 = arith.constant 0 : index
      %swap3A_608 = tpu.vector_load %arg7[%swap3A_606, %swap3A_607] {strides = array<i32>} : memref<512x32xf32, #tpu.memory_space<vmem>>, vector<1x16xf32>,
      %swap3A_609 = vector.shape_cast %swap3A_608 : vector<1x16xf32> to vector<16xf32>
      %swap3A_610 = vector.shape_cast %mul3A_601 : vector<16xf32> to vector<1x16xf32>
      tpu.vector_store %arg7[%swap3A_606, %swap3A_607], %swap3A_610 {strides = array<i32>} : memref<512x32xf32, #tpu.memory_space<vmem>>, vector<1x16xf32>,
      %mul3A_611 = arith.constant 5.000000e-03 : f32
      %mul3A_612 = vector.broadcast %mul3A_611 : f32 to vector<16xf32>
      %mul3A_613 = arith.mulf %scan3A_525#7, %mul3A_612 : vector<16xf32>
      %mul3A_614 = arith.constant 4 : i32
      %mul3A_615 = arith.muli %add3A_392, %mul3A_614 : i32
      %add3A_616 = arith.constant 3 : i32
      %add3A_617 = arith.addi %mul3A_615, %add3A_616 : i32
      %swap3A_618 = arith.index_cast %add3A_617 : i32 to index
      %swap3A_619 = arith.constant 16 : index
      %swap3A_620 = tpu.vector_load %arg7[%swap3A_618, %swap3A_619] {strides = array<i32>} : memref<512x32xf32, #tpu.memory_space<vmem>>, vector<1x16xf32>,
      %swap3A_621 = vector.shape_cast %swap3A_620 : vector<1x16xf32> to vector<16xf32>
      %swap3A_622 = vector.shape_cast %mul3A_613 : vector<16xf32> to vector<1x16xf32>
      tpu.vector_store %arg7[%swap3A_618, %swap3A_619], %swap3A_622 {strides = array<i32>} : memref<512x32xf32, #tpu.memory_space<vmem>>, vector<1x16xf32>,
    }
    %scan3A_160 = arith.constant 64 : i32
    "tpu.region"() ({
      %run_scoped3A = tpu.sem_alloc : memref<!tpu.dma_semaphore, #tpu.memory_space<semaphore_mem>>
      %dma_start3A_161 = arith.constant 0 : i32
      %dma_start3A_162 = tpu.memref_slice %arg4[%mul3A_2, %dma_start3A_161] : memref<16384x32xf32, #tpu.memory_space<hbm>> -> memref<512x32xf32, #tpu.memory_space<hbm>>
      %dma_start3A_163 = arith.constant 0 : i32
      %dma_start3A_164 = tpu.memref_slice %arg4[%mul3A_2, %dma_start3A_163] : memref<16384x32xf32, #tpu.memory_space<hbm>> -> memref<512x32xf32, #tpu.memory_space<hbm>>
      tpu.enqueue_dma source(%arg7 : memref<512x32xf32, #tpu.memory_space<vmem>>) target(%dma_start3A_164 : memref<512x32xf32, #tpu.memory_space<hbm>>) target_semaphore(%run_scoped3A : memref<!tpu.dma_semaphore, #tpu.memory_space<semaphore_mem>>)
      %dma_wait3A_165 = arith.constant 0 : i32
      %dma_wait3A_166 = tpu.memref_slice %arg4[%mul3A_2, %dma_wait3A_165] : memref<16384x32xf32, #tpu.memory_space<hbm>> -> memref<512x32xf32, #tpu.memory_space<hbm>>
      %dma_wait3A_167 = arith.constant 0 : i32
      %dma_wait3A_168 = tpu.memref_slice %arg4[%mul3A_2, %dma_wait3A_167] : memref<16384x32xf32, #tpu.memory_space<hbm>> -> memref<512x32xf32, #tpu.memory_space<hbm>>
      tpu.wait_dma2 semaphore(%run_scoped3A : memref<!tpu.dma_semaphore, #tpu.memory_space<semaphore_mem>>) src(%arg7 : memref<512x32xf32, #tpu.memory_space<vmem>>) dst(%dma_wait3A_168 : memref<512x32xf32, #tpu.memory_space<hbm>>)
      tpu.yield
    }) : () -> ()
    return
  }
}

module attributes {stable_mosaic.version = 14 : i64} {
  func.func @body(%arg0: i32, %arg1: memref<32x25600xf32, #tpu.memory_space<vmem>>, %arg2: memref<6400x128xf32, #tpu.memory_space<vmem>>, %arg3: memref<25600x32xf32, #tpu.memory_space<vmem>>) attributes {dimension_semantics = [#tpu.dimension_semantics<arbitrary>], iteration_bounds = array<i64: 40>, scalar_prefetch = 0 : i64, scratch_operands = 1 : i64, tpu.core_type = #tpu.core_type<tc>, window_params = [{transform_indices = @transform_0, window_bounds = array<i64: 32, 25600>}, {transform_indices = @transform_1, window_bounds = array<i64: 6400, 128>}]} {
    %get3A = arith.constant 0 : index
    %get3A_0 = arith.constant 0 : index
    %get3A_1 = vector.load %arg1[%get3A, %get3A_0] : memref<32x25600xf32, #tpu.memory_space<vmem>>, vector<32x25600xf32>
    %transpose3A = tpu.transpose %get3A_1, [1, 0] : vector<32x25600xf32> -> vector<25600x32xf32>
    %swap3A = arith.constant 0 : index
    %swap3A_2 = arith.constant 0 : index
    %swap3A_3 = vector.load %arg3[%swap3A, %swap3A_2] : memref<25600x32xf32, #tpu.memory_space<vmem>>, vector<25600x32xf32>
    tpu.vector_store %arg3[%swap3A, %swap3A_2], %transpose3A {strides = array<i32>} : memref<25600x32xf32, #tpu.memory_space<vmem>>, vector<25600x32xf32>,
    %get3A_4 = arith.constant 0 : index
    %get3A_5 = arith.constant 0 : index
    %get3A_6 = tpu.strided_load %arg3[%get3A_4, %get3A_5] {strides = array<i32: 4, 1>} : memref<25600x32xf32, #tpu.memory_space<vmem>>, vector<6400x32xf32>
    %swap3A_7 = arith.constant 0 : index
    %swap3A_8 = arith.constant 0 : index
    %swap3A_9 = vector.load %arg2[%swap3A_7, %swap3A_8] : memref<6400x128xf32, #tpu.memory_space<vmem>>, vector<6400x32xf32>
    tpu.vector_store %arg2[%swap3A_7, %swap3A_8], %get3A_6 {strides = array<i32>} : memref<6400x128xf32, #tpu.memory_space<vmem>>, vector<6400x32xf32>,
    %get3A_10 = arith.constant 1 : index
    %get3A_11 = arith.constant 0 : index
    %get3A_12 = tpu.strided_load %arg3[%get3A_10, %get3A_11] {strides = array<i32: 4, 1>} : memref<25600x32xf32, #tpu.memory_space<vmem>>, vector<6400x32xf32>
    %swap3A_13 = arith.constant 0 : index
    %swap3A_14 = arith.constant 32 : index
    %swap3A_15 = vector.load %arg2[%swap3A_13, %swap3A_14] : memref<6400x128xf32, #tpu.memory_space<vmem>>, vector<6400x32xf32>
    tpu.vector_store %arg2[%swap3A_13, %swap3A_14], %get3A_12 {strides = array<i32>} : memref<6400x128xf32, #tpu.memory_space<vmem>>, vector<6400x32xf32>,
    %get3A_16 = arith.constant 2 : index
    %get3A_17 = arith.constant 0 : index
    %get3A_18 = tpu.strided_load %arg3[%get3A_16, %get3A_17] {strides = array<i32: 4, 1>} : memref<25600x32xf32, #tpu.memory_space<vmem>>, vector<6400x32xf32>
    %swap3A_19 = arith.constant 0 : index
    %swap3A_20 = arith.constant 64 : index
    %swap3A_21 = vector.load %arg2[%swap3A_19, %swap3A_20] : memref<6400x128xf32, #tpu.memory_space<vmem>>, vector<6400x32xf32>
    tpu.vector_store %arg2[%swap3A_19, %swap3A_20], %get3A_18 {strides = array<i32>} : memref<6400x128xf32, #tpu.memory_space<vmem>>, vector<6400x32xf32>,
    %get3A_22 = arith.constant 3 : index
    %get3A_23 = arith.constant 0 : index
    %get3A_24 = tpu.strided_load %arg3[%get3A_22, %get3A_23] {strides = array<i32: 4, 1>} : memref<25600x32xf32, #tpu.memory_space<vmem>>, vector<6400x32xf32>
    %swap3A_25 = arith.constant 0 : index
    %swap3A_26 = arith.constant 96 : index
    %swap3A_27 = vector.load %arg2[%swap3A_25, %swap3A_26] : memref<6400x128xf32, #tpu.memory_space<vmem>>, vector<6400x32xf32>
    tpu.vector_store %arg2[%swap3A_25, %swap3A_26], %get3A_24 {strides = array<i32>} : memref<6400x128xf32, #tpu.memory_space<vmem>>, vector<6400x32xf32>,
    return
  }
  func.func @transform_0(%arg0: i32) -> (i32, i32) {
    %c0_i32 = arith.constant 0 : i32
    %c0_i32_0 = arith.constant 0 : i32
    return %c0_i32, %arg0 : i32, i32
  }
  func.func @transform_1(%arg0: i32) -> (i32, i32) {
    %c0_i32 = arith.constant 0 : i32
    %c0_i32_0 = arith.constant 0 : i32
    return %arg0, %c0_i32 : i32, i32
  }
}

module attributes {stable_mosaic.version = 14 : i64} {
  func.func @body(%arg0: i32, %arg1: memref<2048x32xf32, #tpu.memory_space<vmem>>, %arg2: memref<32x512xf32, #tpu.memory_space<vmem>>, %arg3: memref<1x512xf32, #tpu.memory_space<vmem>>, %arg4: memref<1000x512xf32, #tpu.memory_space<vmem>>, %arg5: memref<1000x1xf32, #tpu.memory_space<vmem>>, %arg6: memref<1000x2048xf32, #tpu.memory_space<vmem>>) attributes {dimension_semantics = [#tpu.dimension_semantics<arbitrary>], iteration_bounds = array<i64: 8>, scalar_prefetch = 0 : i64, scratch_operands = 0 : i64, tpu.core_type = #tpu.core_type<tc>, window_params = [{transform_indices = @transform_0, window_bounds = array<i64: 2048, 32>}, {pipeline_mode = #tpu.pipeline_mode<synchronous>, transform_indices = @transform_1, window_bounds = array<i64: 32, 512>}, {pipeline_mode = #tpu.pipeline_mode<synchronous>, transform_indices = @transform_2, window_bounds = array<i64: 1, 512>}, {pipeline_mode = #tpu.pipeline_mode<synchronous>, transform_indices = @transform_3, window_bounds = array<i64: 1000, 512>}, {pipeline_mode = #tpu.pipeline_mode<synchronous>, transform_indices = @transform_4, window_bounds = array<i64: 1000, 1>}, {transform_indices = @transform_5, window_bounds = array<i64: 1000, 2048>}]} {
    %get3A = arith.constant 0 : index
    %get3A_0 = arith.constant 0 : index
    %get3A_1 = vector.load %arg1[%get3A, %get3A_0] : memref<2048x32xf32, #tpu.memory_space<vmem>>, vector<2048x32xf32>
    %get3A_2 = arith.constant 0 : index
    %get3A_3 = arith.constant 0 : index
    %get3A_4 = vector.load %arg2[%get3A_2, %get3A_3] : memref<32x512xf32, #tpu.memory_space<vmem>>, vector<32x512xf32>
    %dot_general3A = arith.constant dense<0.000000e+00> : vector<2048x512xf32>
    %dot_general3A_5 = tpu.matmul %get3A_1, %get3A_4, %dot_general3A {dimension_numbers = #tpu.dot_dimension_numbers<[1], [0], [0], [1], [0, 0, 1, 1], [], []>, transpose_lhs_hint = false} : vector<2048x32xf32>, vector<32x512xf32>, vector<2048x512xf32> -> vector<2048x512xf32>
    %get3A_6 = arith.constant 0 : index
    %get3A_7 = arith.constant 0 : index
    %get3A_8 = vector.load %arg3[%get3A_6, %get3A_7] : memref<1x512xf32, #tpu.memory_space<vmem>>, vector<1x512xf32>
    %add3A = vector.broadcast %get3A_8 : vector<1x512xf32> to vector<2048x512xf32>
    %add3A_9 = arith.addf %dot_general3A_5, %add3A : vector<2048x512xf32>
    %max3A = arith.constant 0.000000e+00 : f32
    %max3A_10 = vector.broadcast %max3A : f32 to vector<2048x512xf32>
    %max3A_11 = arith.maximumf %add3A_9, %max3A_10 : vector<2048x512xf32>
    %get3A_12 = arith.constant 0 : index
    %get3A_13 = arith.constant 0 : index
    %get3A_14 = vector.load %arg4[%get3A_12, %get3A_13] : memref<1000x512xf32, #tpu.memory_space<vmem>>, vector<1000x512xf32>
    %dot_general3A_15 = arith.constant dense<0.000000e+00> : vector<1000x2048xf32>
    %dot_general3A_16 = tpu.matmul %get3A_14, %max3A_11, %dot_general3A_15 {dimension_numbers = #tpu.dot_dimension_numbers<[1], [1], [0], [0], [0, 0, 1, 0], [], []>, transpose_lhs_hint = false} : vector<1000x512xf32>, vector<2048x512xf32>, vector<1000x2048xf32> -> vector<1000x2048xf32>
    %get3A_17 = arith.constant 0 : index
    %get3A_18 = arith.constant 0 : index
    %get3A_19 = vector.load %arg5[%get3A_17, %get3A_18] : memref<1000x1xf32, #tpu.memory_space<vmem>>, vector<1000x1xf32>
    %add3A_20 = vector.broadcast %get3A_19 : vector<1000x1xf32> to vector<1000x2048xf32>
    %add3A_21 = arith.addf %dot_general3A_16, %add3A_20 : vector<1000x2048xf32>
    %neg3A = arith.constant 0.000000e+00 : f32
    %neg3A_22 = vector.broadcast %neg3A : f32 to vector<1000x2048xf32>
    %neg3A_23 = arith.subf %neg3A_22, %add3A_21 : vector<1000x2048xf32>
    %exp3A = math.exp %neg3A_23 : vector<1000x2048xf32>
    %add3A_24 = arith.constant 1.000000e+00 : f32
    %add3A_25 = vector.broadcast %add3A_24 : f32 to vector<1000x2048xf32>
    %add3A_26 = arith.addf %add3A_25, %exp3A : vector<1000x2048xf32>
    %div3A = arith.constant 1.000000e+00 : f32
    %div3A_27 = vector.broadcast %div3A : f32 to vector<1000x2048xf32>
    %div3A_28 = arith.divf %div3A_27, %add3A_26 : vector<1000x2048xf32>
    %swap3A = arith.constant 0 : index
    %swap3A_29 = arith.constant 0 : index
    %swap3A_30 = vector.load %arg6[%swap3A, %swap3A_29] : memref<1000x2048xf32, #tpu.memory_space<vmem>>, vector<1000x2048xf32>
    tpu.vector_store %arg6[%swap3A, %swap3A_29], %div3A_28 {strides = array<i32>} : memref<1000x2048xf32, #tpu.memory_space<vmem>>, vector<1000x2048xf32>,
    return
  }
  func.func @transform_0(%arg0: i32) -> (i32, i32) {
    %c0_i32 = arith.constant 0 : i32
    %c0_i32_0 = arith.constant 0 : i32
    return %arg0, %c0_i32 : i32, i32
  }
  func.func @transform_1(%arg0: i32) -> (i32, i32) {
    %c0_i32 = arith.constant 0 : i32
    %c0_i32_0 = arith.constant 0 : i32
    %c0_i32_1 = arith.constant 0 : i32
    return %c0_i32, %c0_i32_0 : i32, i32
  }
  func.func @transform_2(%arg0: i32) -> (i32, i32) {
    %c0_i32 = arith.constant 0 : i32
    %c0_i32_0 = arith.constant 0 : i32
    %c0_i32_1 = arith.constant 0 : i32
    return %c0_i32, %c0_i32_0 : i32, i32
  }
  func.func @transform_3(%arg0: i32) -> (i32, i32) {
    %c0_i32 = arith.constant 0 : i32
    %c0_i32_0 = arith.constant 0 : i32
    %c0_i32_1 = arith.constant 0 : i32
    return %c0_i32, %c0_i32_0 : i32, i32
  }
  func.func @transform_4(%arg0: i32) -> (i32, i32) {
    %c0_i32 = arith.constant 0 : i32
    %c0_i32_0 = arith.constant 0 : i32
    %c0_i32_1 = arith.constant 0 : i32
    return %c0_i32, %c0_i32_0 : i32, i32
  }
  func.func @transform_5(%arg0: i32) -> (i32, i32) {
    %c0_i32 = arith.constant 0 : i32
    %c0_i32_0 = arith.constant 0 : i32
    return %c0_i32, %arg0 : i32, i32
  }
}

</mosaic_0001>

<sc_bundles>
// kernel: kernel.5.cloned.1.call-start
scs
__scs_entry_jumppad:
0x0: {  	(pc) =	sbr.rel $0x88, $3  }
0x1: {  	(tag) =	ssettag $0x0;
	lr =	simm.s32 $0x1  }
0x2: {  	[smem:$0x3F9B] =	sst lr;
	_ =	strace $0xD0000000  }
0x3: {  	_ = 	snop  }
0x4: {  	_ = 	snop  }
0x5: {  	_ = 	snop  }
0x6: {  	_ = 	snop  }
0x7: {  	_ = 	snop  }
__scs_overlays_trampoline_lowered:
0x8: {  	[smem:$0x3FAA] =	sst s0  }
0x9: {  	[smem:$0x3FAB] =	sst s1  }
0xa: {  	[smem:$0x3FAC] =	sst s2  }
0xb: {  	[smem:$0x3FAD] =	sst s3  }
0xc: {  	[smem:$0x3FAE] =	sst s4  }
0xd: {  	[smem:$0x3FAF] =	sst s5  }
0xe: {  	[smem:$0x3FB0] =	sst s6  }
0xf: {  	[smem:$0x3FB1] =	sst s7  }
0x10: {  	[smem:$0x3FB2] =	sst s8  }
0x11: {  	[smem:$0x3FB3] =	sst s9;
	s0 =	simm.s32 @!p0 $0x0  }
0x12: {  	s1 =	sld [smem:$0x3F99];
	s0 =	simm.s32 @p0 $0x1  }
0x13: {  	[smem:$0x3FB4] =	sst s0;
	s0 =	simm.s32 @!p1 $0x0  }
0x14: {  	s2 =	sld [smem:$0x3F98];
	s0 =	simm.s32 @p1 $0x1  }
0x15: {  	[smem:$0x3FB5] =	sst s0;
	s0 =	simm.s32 @!p2 $0x0  }
0x16: {  	s3 =	sld [smem:$0x3FDB];
	s0 =	simm.s32 @p2 $0x1  }
0x17: {  	s4 =	simm.s32 $0x1BF5;
	[smem:$0x3FB7] =	sst s0  }
0x18: {  	s0 =	sld [smem:$0x3F9A];
	_ =	swait.ge [sflag:s4], $0x0  }
0x19: {  	s7 =	sld [smem:$0x3F9B]  }
0x1a: {  	s8 =	sadd.s32 $0xFFFFE003, lr  }
0x1b: {  	s9 =	sadd.s32 $0xFFFFFEF7, lr;
	s5 =	simm.s32 $0xFFFFFFFF;
	p2 =	slt.u32 s8, $0xFFFFF086  }
0x1c: {  	p1 =	slt.u32 s9, $0xF7A;
	s5 =	simm.s32 @!p2 $0x0  }
0x1d: {  	s5 =	simm.s32 @p1 $0x1;
	p0 =	seq.s32 s7, s2  }
0x1e: {  	s7 =	smul.u32 @!p0 $0xF7A, s2;
	p2 =	seq.s32 @!p0 s5, $0x0  }
0x1f: {  	s9 =	smul.u32 $0xF7A, s1;
	s8 =	simm.s32 @!p0 $0x1BF5;
	p2 =	por !p2, p0  }
0x20: {  	[sflag:s8] =	ssyncset.s32 @!p0 $0xFFFFF086;
	s6 =	sadd.s32 @!p0 s3, s7;
	s7 =	simm.s32 @!p0 $0x108  }
0x21: {  	s3 =	sadd.s32 s3, s9;
	s6 =	sadd.s32 @!p0 $0x88, s6;
	s7 =	simm.s32 @p2 $0x1082  }
0x22: {  	[simem:s7], [sflag:s8] =	dma.local @!p0 [hbm:s6], $0xF7A  }
0x23: {  	s9 =	sor.u32 $0xD0000000, s2;
	s6 =	simm.s32 $0x108;
	_ =	swait.ge @!p0 [sflag:s8], $0x0  }
0x24: {  	s3 =	sadd.s32 $0x88, s3;
	s6 =	simm.s32 @!p1 $0x1082;
	[sflag:s4] =	ssyncset.s32 $0xFFFFF086  }
0x25: {  	[simem:s6], [sflag:s4] =	dma.local [hbm:s3], $0xF7A  }
0x26: {  	[smem:$0x3F9B] =	sst s1;
	(tag) =	ssettag s2;
	_ =	strace s9  }
0x27: {  	s1 =	sld [smem:$0x3FAB]  }
0x28: {  	s2 =	sld [smem:$0x3FAC]  }
0x29: {  	s4 =	sld [smem:$0x3FAE]  }
0x2a: {  	p0 =	seq.s32 s5, $0x0;
	s5 =	sld [smem:$0x3FAF]  }
0x2b: {  	s6 =	sld [smem:$0x3FB0]  }
0x2c: {  	s7 =	sld [smem:$0x3FB1]  }
0x2d: {  	s3 =	simm.s32 $0x108;
	s8 =	sld [smem:$0x3FB2]  }
0x2e: {  	s3 =	simm.s32 @!p0 $0x1082;
	s9 =	sld [smem:$0x3FB3]  }
0x2f: {  	lr =	sadd.s32 s0, s3;
	s0 =	sld [smem:$0x3FAA]  }
0x30: {  	s3 =	sld [smem:$0x3FAD]  }
0x31: {  	[smem:$0x3FB6] =	sst s10  }
0x32: {  	s10 =	sld [smem:$0x3FB4];
	_ =	sdelay $0x3  }
0x33: {  	p0 =	seq.s32 s10, $0x1;
	s10 =	sld [smem:$0x3FB6];
	_ =	sdelay $0x3  }
0x34: {  	[smem:$0x3FB6] =	sst s10  }
0x35: {  	s10 =	sld [smem:$0x3FB5];
	_ =	sdelay $0x3  }
0x36: {  	p1 =	seq.s32 s10, $0x1;
	s10 =	sld [smem:$0x3FB6];
	_ =	sdelay $0x3  }
0x37: {  	[smem:$0x3FB6] =	sst s10  }
0x38: {  	s10 =	sld [smem:$0x3FB7]  }
0x39: {  	_ = 	snop;
	(pc) =	sbr.ind lr, $3  }
0x3a: {  	_ = 	snop  }
0x3b: {  	_ = 	snop  }
0x3c: {  	p2 =	seq.s32 s10, $0x1;
	s10 =	sld [smem:$0x3FB6]  }
0x3d: {  	_ =	shalt  }
0x3e: {  	_ =	shalt  }
0x3f: {  	_ =	shalt  }
0x40: {  	_ =	shalt  }
0x41: {  	_ =	shalt  }
0x42: {  	_ =	shalt  }
0x43: {  	_ =	shalt  }
0x44: {  	_ =	shalt  }
0x45: {  	_ =	shalt  }
0x46: {  	_ =	shalt  }
0x47: {  	_ =	shalt  }
0x48: {  	_ =	shalt  }
0x49: {  	_ =	shalt  }
0x4a: {  	_ =	shalt  }
0x4b: {  	_ =	shalt  }
0x4c: {  	_ =	shalt  }
0x4d: {  	_ =	shalt  }
0x4e: {  	_ =	shalt  }
0x4f: {  	_ =	shalt  }
0x50: {  	_ =	shalt  }
0x51: {  	_ =	shalt  }
0x52: {  	_ =	shalt  }
0x53: {  	_ =	shalt  }
0x54: {  	_ =	shalt  }
0x55: {  	_ =	shalt  }
0x56: {  	_ =	shalt  }
0x57: {  	_ =	shalt  }
0x58: {  	_ =	shalt  }
0x59: {  	_ =	shalt  }
0x5a: {  	_ =	shalt  }
0x5b: {  	_ =	shalt  }
0x5c: {  	_ =	shalt  }
0x5d: {  	_ =	shalt  }
0x5e: {  	_ =	shalt  }
0x5f: {  	_ =	shalt  }
0x60: {  	_ =	shalt  }
0x61: {  	_ =	shalt  }
0x62: {  	_ =	shalt  }
0x63: {  	_ =	shalt  }
0x64: {  	_ =	shalt  }
0x65: {  	_ =	shalt  }
0x66: {  	_ =	shalt  }
0x67: {  	_ =	shalt  }
0x68: {  	_ =	shalt  }
0x69: {  	_ =	shalt  }
0x6a: {  	_ =	shalt  }
0x6b: {  	_ =	shalt  }
0x6c: {  	_ =	shalt  }
0x6d: {  	_ =	shalt  }
0x6e: {  	_ =	shalt  }
0x6f: {  	_ =	shalt  }
0x70: {  	_ =	shalt  }
0x71: {  	_ =	shalt  }
0x72: {  	_ =	shalt  }
0x73: {  	_ =	shalt  }
0x74: {  	_ =	shalt  }
0x75: {  	_ =	shalt  }
0x76: {  	_ =	shalt  }
0x77: {  	_ =	shalt  }
0x78: {  	_ =	shalt  }
0x79: {  	_ =	shalt  }
0x7a: {  	_ =	shalt  }
0x7b: {  	_ =	shalt  }
0x7c: {  	_ =	shalt  }
0x7d: {  	_ =	shalt  }
0x7e: {  	_ =	shalt  }
0x7f: {  	_ =	shalt  }
0x80: {  	_ =	shalt  }
0x81: {  	_ =	shalt  }
0x82: {  	_ =	shalt  }
0x83: {  	_ =	shalt  }
0x84: {  	_ =	shalt  }
0x85: {  	_ =	shalt  }
0x86: {  	_ =	shalt  }
0x87: {  	_ =	shalt  }
.Lfunc_end0:
.L_simem_size_0:
called_computation_lowered:
.L_overlay_start_0:
0x88: {  	s2 =	sld [smem:$0x3FD9]  }
0x89: {  	s3 =	sld [smem:$0x3FFE];
	_ =	sdelay $0x1  }
0x8a: {  	s1 =	srdreg.scid  }
0x8b: {  	s0 =	sand.u32 $0x1, s1  }
0x8c: {  	s17 =	sshll.u32 s0, $0xA;
	s2 =	sadd.s32 s3, s2  }
0x8d: {  	s2 =	sadd.s32 s2, s17  }
0x8e: {  	[smem:$0x3FC2] =	sst s2  }
0x8f: {  	_ = 	snop  }
0x90: {  	s2 =	sld [smem:$0x3FD0];
	(tm) =	ssettm $0x1  }
0x91: {  	s18 =	sld [smem:$0x3FFB];
	_ =	sdelay $0x3  }
0x92: {  	_ =	strace s18  }
0x93: {  	s3 =	sld [smem:$0x3FFC];
	_ =	sdelay $0x3  }
0x94: {  	_ =	strace s3  }
0x95: {  	s3 =	sld [smem:$0x3FFD];
	_ =	sdelay $0x3  }
0x96: {  	_ =	strace s3  }
0x97: {  	_ =	strace $0x8FFFFFFF  }
0x98: {  	s19 =	sld [smem:$0x3FDB];
	_ =	sdelay $0x1  }
0x99: {  	s4 =	simm.s32 $_scs_section_size  }
0x9a: {  	s5 =	simm.s32 $_size__tile_overlayer_lowered;
	s6 =	simm.s32 $_tile_overlayer_lowered  }
0x9b: {  	s22 =	simm.s32 $0x1BFF;
	s21 =	sshll.u32 s6, $0x1;
	s3 =	sadd.s32 s4, s19  }
0x9c: {  	s7 =	simm.s32 $0x0;
	s20 =	sshll.u32 s5, $0x1;
	s5 =	sadd.s32 s21, s3  }
0x9d: {  	[timem:s7], [sflag:s22] =	dma.local [hbm:s5], s20  }
0x9e: {  	_ =	swait.ge [sflag:s22], s20  }
0x9f: {  	s4 =	ssub.s32 $0x0, s20;
	[sflag:s22] =	ssyncset.done $0x0  }
0xa0: {  	[sflag:s22] =	ssyncadd.s32 s4;
	_ =	sdelay $0x1  }
0xa1: {  	s23 =	simm.s32 $0x1B8B  }
0xa2: {  	_ =	swait.ge [sflag:s23], $0x1  }
0xa3: {  	[sflag:s23] =	ssyncset.done $0x0  }
0xa4: {  	s25 =	simm.s32 $0x1B8E;
	s24 =	sld [smem:$0x3FFE];
	[sflag:s23] =	ssyncadd.s32 $0xFFFFFFFF  }
0xa5: {  	s26 =	simm.s32 $execute0_lowered;
	[smem:$0x3FD2] =	sst s25  }
0xa6: {  	s5 =	sshll.u32 s26, $0x1;
	_ =	strace $0x80000046;
	[dreg:$0x1] =	wrdreg $0xFFFFFFFF  }
0xa7: {  	s28 =	simm.s32 $_size_execute0_lowered;
	s3 =	sadd.s32 s3, s5;
	[dreg:$0x0] =	wrdreg $0x0  }
0xa8: {  	s5 =	sshll.u32 s28, $0x1;
	[dreg:$0x2] =	wrdreg s3  }
0xa9: {  	[dreg:$0x3] =	wrdreg s5  }
0xaa: {  	[dreg:$0x4] =	wrdreg $0xC0  }
0xab: {  	_ =	task [dreg:s7], $0x5FFFF  }
0xac: {  	[dreg:$0x1] =	wrdreg $0xFFFFFFFF  }
0xad: {  	[dreg:$0x0] =	wrdreg $0x60  }
0xae: {  	[dreg:$0x2] =	wrdreg s2  }
0xaf: {  	[dreg:$0x3] =	wrdreg s24  }
0xb0: {  	[dreg:$0x4] =	wrdreg $0x9  }
0xb1: {  	_ =	task.clear_ibuf [dreg:s7], $0x5FFFF;
	_ =	strace $0x90000046  }
0xb2: {  	s29 =	simm.s32 $0x9;
	_ =	strace $0x80000048  }
0xb3: {  	_ =	swait.ge [sflag:s29], $0x1  }
0xb4: {  	[sflag:s29] =	ssyncadd.s32 $0xFFFFFFFF  }
0xb5: {  	_ =	strace $0x90000048  }
0xb6: {  	_ =	sfence  }
0xb7: {  	s30 =	sld [smem:$0x0];
	_ =	sdelay $0x2  }
0xb8: {  	s31 =	sshll.u32 s1, $0xD;
	s1 =	sshrl.u32 s1, $0x2  }
0xb9: {  	s3 =	sand.u32 $0x4000, s31;
	s1 =	sadd.s32 s1, s30  }
0xba: {  	s0 =	sor.u32 s3, s0;
	s1 =	sshll.u32 s1, $0x11  }
0xbb: {  	s0 =	sor.u32 s1, s0  }
0xbc: {  	s0 =	sadd.s32 $0x8F2B, s0  }
0xbd: {  	[sflag:s0] =	ssyncadd.remote.s32 $0x1  }
0xbe: {  	_ =	sfence.sel $0xFFFF  }
0xbf: {  	[dreg:$0x0] =	wrdreg $0xFFFFFFFF;
	(pc) =	sbr.abs _section_cstart, $3  }
0xc0: {  	[dreg:$0x1] =	wrdreg $0xFFFFFFFF  }
0xc1: {  	_ =	task.clear_ibuf [dreg:s7], $0x2FFFF;
	_ =	strace $0x9FFFFFFF  }
0xc2: {  	(tm) =	ssettm $0x7FFFFFFF  }
0xc3: {  	_ =	shalt  }
tec
execute0_lowered:
.L_overlay_start_1:
0x0: {  	(tag) =	ssettag $0x1  }
0x1: {  	s2 =	rddreg [dreg:$0x0]  }
0x2: {  	s0 =	rddreg [dreg:$0x1];
	s1 =	srdreg.scid  }
0x3: {  	s3 =	stileid.u32;
	s9 =	simm.s32 $0x0;
	s12 =	simm.s32 $0x68  }
0x4: {  	s14 =	simm.s32 $0x60;
	s29 =	simm.s32 $0x320;
	s30 =	simm.s32 $0x4  }
0x5: {  	s13 =	simm.s32 $0x3E8;
	s15 =	simm.s32 $0x8340;
	s16 =	simm.s32 $0x450  }
0x6: {  	s17 =	simm.s32 $0x9040;
	s18 =	simm.s32 $0x4B0;
	s19 =	simm.s32 $0x9C40  }
0x7: {  	s20 =	simm.s32 $0x518;
	s21 =	simm.s32 $0xA940;
	s22 =	simm.s32 $0x578  }
0x8: {  	s23 =	simm.s32 $0xB540;
	s24 =	simm.s32 $0x5E0;
	s28 =	simm.s32 $0x2  }
0x9: {  	s1 =	sand.u32 $0x1, s1;
	s4 =	sshll.u32 s3, $0xA;
	[smem:$0x7FF] =	sst s9  }
0xa: {  	s5 =	sshll.u32 s1, $0x9;
	_ =	strace $0x80000047;
	s1 =	ssub.s32 $0x2, s1  }
0xb: {  	s5 =	sor.u32 s5, s4;
	s4 =	sadd.s32 $0xC00, s0;
	s25 =	sshrl.u32 s1, $0x1  }
0xc: {  	s6 =	smul.u32 $0x19, s5;
	s7 =	sshll.u32 s5, $0x2;
	s1 =	ssub.s32 s1, s25  }
0xd: {  	s8 =	sor.u32 $0xC, s5;
	s25 =	simm.s32 $0xC240;
	s31 =	smax.u32 s1, $0x1  }
0xe: {  	s0 =	sadd.s32 s7, s0;
	s26 =	sadd.s32 s2, s6;
	[dreg:$0x6] =	wrdreg s31  }
0xf: {  	s7 =	sor.u32 $0x8, s5;
	s0 =	sadd.s32 $0x3D1600, s0;
	[dreg:$0x3] =	wrdreg s26  }
0x10: {  	s1 =	simm.s32 $0x7740;
	s3 =	sadd.s32 $0x64, s26;
	[dreg:$0x5] =	wrdreg s0  }
0x11: {  	s5 =	simm.s32 $0x0;
	s26 =	simm.s32 $0x1;
	[dreg:$0x4] =	wrdreg s3  }
.LBB2_1:
0x12: {  	[dreg:$0x7] =	wrdreg s5  }
0x13: {  	s0 =	rddreg [dreg:$0x3];
	s6 =	simm.s32 $0x3  }
0x14: {  	[tilespmem:s9], [sflag:$0x3] =	stream.linear.gather [hbm4b:s0+s9], $0x320, $0x38;
	[tilespmem:$0x10E40] =	vst v63  }
0x15: {  	_ =	swait.ge [sflag:s6], $0x320  }
0x16: {  	[sflag:s6] =	ssyncset.done $0x0  }
0x17: {  	s10 =	simm.s32 $0x640;
	[sflag:s6] =	ssyncadd.s32 $0xFFFFFCE0  }
0x18: {  	[tilespmem:s10], [sflag:$0x1] =	stream.indirect.gather [hbm4b:s4+s12], $0x20, s9, s12, $0xb8;
	[tilespmem:$0x10E40] =	vst v63  }
0x19: {  	s11 =	simm.s32 $0x1340  }
0x1a: {  	[tilespmem:s11], [sflag:$0x1] =	stream.indirect.gather [hbm4b:s4+s14], $0x20, s12, s14, $0xb8;
	[tilespmem:$0x10E40] =	vst v63  }
0x1b: {  	s31 =	simm.s32 $0xC8;
	s3 =	simm.s32 $0x1F40  }
0x1c: {  	[tilespmem:s3], [sflag:$0x1] =	stream.indirect.gather [hbm4b:s4+s12], $0x20, s31, s12, $0xb8;
	[tilespmem:$0x10E40] =	vst v63  }
0x1d: {  	s5 =	simm.s32 $0x2C40;
	s3 =	simm.s32 $0x130  }
0x1e: {  	[tilespmem:s5], [sflag:$0x1] =	stream.indirect.gather [hbm4b:s4+s14], $0x20, s3, s14, $0xb8;
	[tilespmem:$0x10E40] =	vst v63  }
0x1f: {  	s6 =	simm.s32 $0x190;
	s10 =	simm.s32 $0x3840  }
0x20: {  	[tilespmem:s10], [sflag:$0x1] =	stream.indirect.gather [hbm4b:s4+s12], $0x20, s6, s12, $0xb8;
	[tilespmem:$0x10E40] =	vst v63  }
0x21: {  	s11 =	simm.s32 $0x1F8;
	s31 =	simm.s32 $0x4540  }
0x22: {  	[tilespmem:s31], [sflag:$0x1] =	stream.indirect.gather [hbm4b:s4+s14], $0x20, s11, s14, $0xb8;
	[tilespmem:$0x10E40] =	vst v63  }
0x23: {  	s5 =	simm.s32 $0x258;
	s6 =	simm.s32 $0x5140  }
0x24: {  	[tilespmem:s6], [sflag:$0x1] =	stream.indirect.gather [hbm4b:s4+s12], $0x20, s5, s12, $0xb8;
	[tilespmem:$0x10E40] =	vst v63  }
0x25: {  	s10 =	simm.s32 $0x2C0;
	s11 =	simm.s32 $0x5E40  }
0x26: {  	[tilespmem:s11], [sflag:$0x1] =	stream.indirect.gather [hbm4b:s4+s14], $0x20, s10, s14, $0xb8;
	[tilespmem:$0x10E40] =	vst v63  }
0x27: {  	s31 =	rddreg [dreg:$0x4];
	s10 =	simm.s32 $0x0  }
0x28: {  	[tilespmem:s29], [sflag:$0x4] =	stream.linear.gather [hbm4b:s31+s9], $0x320, $0x38;
	[tilespmem:$0x10E40] =	vst v63  }
.LBB2_2:
0x29: {  	_ =	swait.ge [sflag:s30], $0x320  }
0x2a: {  	[sflag:s30] =	ssyncset.done $0x0  }
0x2b: {  	s0 =	simm.s32 $0x6A40;
	[sflag:s30] =	ssyncadd.s32 $0xFFFFFCE0  }
0x2c: {  	[tilespmem:s0], [sflag:$0x2] =	stream.indirect.gather [hbm4b:s4+s12], $0x20, s29, s12, $0xb8;
	[tilespmem:$0x10E40] =	vst v63  }
0x2d: {  	s11 =	simm.s32 $0x388  }
0x2e: {  	[tilespmem:s1], [sflag:$0x2] =	stream.indirect.gather [hbm4b:s4+s14], $0x20, s11, s14, $0xb8;
	[tilespmem:$0x10E40] =	vst v63  }
0x2f: {  	_ = 	snop  }
0x30: {  	[tilespmem:s15], [sflag:$0x2] =	stream.indirect.gather [hbm4b:s4+s12], $0x20, s13, s12, $0xb8;
	[tilespmem:$0x10E40] =	vst v63  }
0x31: {  	_ = 	snop  }
0x32: {  	[tilespmem:s17], [sflag:$0x2] =	stream.indirect.gather [hbm4b:s4+s14], $0x20, s16, s14, $0xb8;
	[tilespmem:$0x10E40] =	vst v63  }
0x33: {  	_ = 	snop  }
0x34: {  	[tilespmem:s19], [sflag:$0x2] =	stream.indirect.gather [hbm4b:s4+s12], $0x20, s18, s12, $0xb8;
	[tilespmem:$0x10E40] =	vst v63  }
0x35: {  	_ = 	snop  }
0x36: {  	[tilespmem:s21], [sflag:$0x2] =	stream.indirect.gather [hbm4b:s4+s14], $0x20, s20, s14, $0xb8;
	[tilespmem:$0x10E40] =	vst v63  }
0x37: {  	_ = 	snop  }
0x38: {  	[tilespmem:s23], [sflag:$0x2] =	stream.indirect.gather [hbm4b:s4+s12], $0x20, s22, s12, $0xb8;
	[tilespmem:$0x10E40] =	vst v63  }
0x39: {  	_ = 	snop  }
0x3a: {  	[tilespmem:s25], [sflag:$0x2] =	stream.indirect.gather [hbm4b:s4+s14], $0x20, s24, s14, $0xb8;
	[tilespmem:$0x10E40] =	vst v63  }
0x3b: {  	_ =	swait.ge [sflag:s26], $0xD00  }
0x3c: {  	[sflag:s26] =	ssyncset.done $0x0  }
0x3d: {  	[sflag:s26] =	ssyncadd.s32 $0xFFFFF300  }
0x3e: {  	_ =	swait.ge [sflag:s26], $0xC00  }
0x3f: {  	[sflag:s26] =	ssyncset.done $0x0  }
0x40: {  	[sflag:s26] =	ssyncadd.s32 $0xFFFFF400  }
0x41: {  	_ =	swait.ge [sflag:s26], $0xD00  }
0x42: {  	[sflag:s26] =	ssyncset.done $0x0  }
0x43: {  	[sflag:s26] =	ssyncadd.s32 $0xFFFFF300  }
0x44: {  	_ =	swait.ge [sflag:s26], $0xC00  }
0x45: {  	[sflag:s26] =	ssyncset.done $0x0  }
0x46: {  	[sflag:s26] =	ssyncadd.s32 $0xFFFFF400  }
0x47: {  	_ =	swait.ge [sflag:s26], $0xD00  }
0x48: {  	[sflag:s26] =	ssyncset.done $0x0  }
0x49: {  	[sflag:s26] =	ssyncadd.s32 $0xFFFFF300  }
0x4a: {  	_ =	swait.ge [sflag:s26], $0xC00  }
0x4b: {  	[sflag:s26] =	ssyncset.done $0x0  }
0x4c: {  	[sflag:s26] =	ssyncadd.s32 $0xFFFFF400  }
0x4d: {  	p0 =	seq.s32 s10, $0x3F;
	_ =	swait.ge [sflag:s26], $0xD00  }
0x4e: {  	s11 =	sshll.u32 @!p0 s10, $0x3;
	[sflag:s26] =	ssyncset.done $0x0  }
0x4f: {  	s5 =	sadd.s32 @!p0 s11, s7;
	[sflag:s26] =	ssyncadd.s32 $0xFFFFF300  }
0x50: {  	s5 =	smul.u32 @!p0 $0x19, s5;
	_ =	swait.ge [sflag:s26], $0xC00  }
0x51: {  	s31 =	simm.s32 $0x640;
	[sflag:s26] =	ssyncset.done $0x0  }
0x52: {  	s6 =	simm.s32 @!p0 $0x0;
	s5 =	sadd.s32 @!p0 s2, s5;
	[sflag:s26] =	ssyncadd.s32 $0xFFFFF400  }
0x53: {  	[tilespmem:s6], [sflag:$0x3] =	stream.linear.gather @!p0 [hbm4b:s5+s6], $0x320, $0x38;
	[tilespmem:$0x10E40] =	vst v63  }
0x54: {  	v5 =	vld [tilespmem:s31+$0x20]  }
0x55: {  	v6 =	vld [tilespmem:s31+$0x30]  }
0x56: {  	v2 =	vld [tilespmem:s31+$0x1920]  }
0x57: {  	v3 =	vld [tilespmem:s31+$0x1930]  }
0x58: {  	v0 =	vld [tilespmem:s31+$0x3220]  }
0x59: {  	v7 =	vld [tilespmem:s31+$0x0]  }
0x5a: {  	v8 =	vld [tilespmem:s31+$0x10]  }
0x5b: {  	v9 =	vld [tilespmem:s31+$0x1900]  }
0x5c: {  	v10 =	vld [tilespmem:s31+$0x1910]  }
0x5d: {  	v1 =	vld [tilespmem:s31+$0x3230]  }
0x5e: {  	v14 =	vld [tilespmem:s31+$0x3200]  }
0x5f: {  	v4 =	vimm.f32 $0.0e+00;
	v13 =	vld [tilespmem:s31+$0x3210]  }
0x60: {  	v11 =	vld [tilespmem:s31+$0x4B00];
	v7 =	vadd.f32 v7, v4;
	v8 =	vadd.f32 v8, v4  }
0x61: {  	v12 =	vld [tilespmem:s31+$0x4B10];
	v17 =	vadd.f32 v9, v4;
	v16 =	vadd.f32 v10, v4  }
0x62: {  	v15 =	vld [tilespmem:s31+$0x4B30];
	v9 =	vadd.f32 v5, v7;
	v6 =	vadd.f32 v6, v8  }
0x63: {  	s5 =	simm.s32 $0x0;
	s6 =	simm.s32 $0x680;
	v10 =	vld [tilespmem:s31+$0x4B20];
	v8 =	vimm.f32 $0.0e+00;
	v7 =	vimm.f32 $0.0e+00;
	v5 =	vimm.f32 $0.0e+00  }
.LBB2_3:
0x64: {  	v18 =	vld [tilespmem:s6+$0x20];
	v17 =	vadd.f32 v2, v17;
	v16 =	vadd.f32 v3, v16  }
0x65: {  	v4 =	vadd.f32 v14, v4;
	v8 =	vadd.f32 v13, v8;
	v19 =	vld [tilespmem:s6+$0x30]  }
0x66: {  	v7 =	vadd.f32 v11, v7;
	v2 =	vld [tilespmem:s6+$0x1920];
	v5 =	vadd.f32 v12, v5  }
0x67: {  	v4 =	vadd.f32 v0, v4;
	v8 =	vadd.f32 v1, v8;
	v3 =	vld [tilespmem:s6+$0x1930]  }
0x68: {  	v7 =	vadd.f32 v10, v7;
	v0 =	vld [tilespmem:s6+$0x3220];
	v5 =	vadd.f32 v15, v5  }
0x69: {  	v1 =	vld [tilespmem:s6+$0x3230]  }
0x6a: {  	v10 =	vld [tilespmem:s6+$0x0]  }
0x6b: {  	v12 =	vld [tilespmem:s6+$0x10]  }
0x6c: {  	v15 =	vld [tilespmem:s6+$0x1900]  }
0x6d: {  	s5 =	sadd.s32 $0x2, s5;
	v20 =	vld [tilespmem:s6+$0x1910]  }
0x6e: {  	p1 =	slt.u32 s5, $0xC6;
	v14 =	vld [tilespmem:s6+$0x3200]  }
.Ltmp0:
0x6f: {  	v13 =	vld [tilespmem:s6+$0x3210];
	(pc) =	sbr.rel @p1 .LBB2_3-.Ltmp0, $4  }
0x70: {  	v11 =	vld [tilespmem:s6+$0x4B00]  }
0x71: {  	v9 =	vadd.f32 v10, v9;
	v6 =	vadd.f32 v12, v6;
	v12 =	vld [tilespmem:s6+$0x4B10]  }
0x72: {  	v17 =	vadd.f32 v15, v17;
	v16 =	vadd.f32 v20, v16;
	v10 =	vld [tilespmem:s6+$0x4B20]  }
0x73: {  	v9 =	vadd.f32 v18, v9;
	v6 =	vadd.f32 v19, v6;
	v15 =	vld [tilespmem:s6+$0x4B30];
	s6 =	sadd.s32 $0x40, s6  }
0x74: {  	_ = 	snop  }
0x75: {  	v2 =	vadd.f32 v2, v17;
	v4 =	vadd.f32 v14, v4;
	s5 =	sshll.u32 s10, $0x8;
	v9 =	vmul.f32 $4.999999890e-03, v9  }
0x76: {  	v3 =	vadd.f32 v3, v16;
	v8 =	vadd.f32 v13, v8;
	s5 =	sand.u32 $0x3FFFFF00, s5;
	v6 =	vmul.f32 $4.999999890e-03, v6  }
0x77: {  	v7 =	vadd.f32 v11, v7;
	v0 =	vadd.f32 v0, v4;
	v2 =	vmul.f32 $4.999999890e-03, v2;
	[tilespmem:s5+$0xCE40] =	vst v9  }
0x78: {  	v4 =	vadd.f32 v12, v5;
	v1 =	vadd.f32 v1, v8;
	v3 =	vmul.f32 $4.999999890e-03, v3;
	[tilespmem:s5+$0xCE50] =	vst v6  }
0x79: {  	v5 =	vadd.f32 v10, v7;
	[tilespmem:s5+$0xCE60] =	vst v2;
	v0 =	vmul.f32 $4.999999890e-03, v0  }
0x7a: {  	v2 =	vadd.f32 v15, v4;
	[tilespmem:s5+$0xCE70] =	vst v3;
	v1 =	vmul.f32 $4.999999890e-03, v1  }
0x7b: {  	[tilespmem:s5+$0xCE80] =	vst v0;
	v0 =	vmul.f32 $4.999999890e-03, v5  }
0x7c: {  	[tilespmem:s5+$0xCE90] =	vst v1;
	v1 =	vmul.f32 $4.999999890e-03, v2  }
0x7d: {  	[tilespmem:s5+$0xCEA0] =	vst v0  }
0x7e: {  	s6 =	simm.s32 @!p0 $0x3;
	[tilespmem:s5+$0xCEB0] =	vst v1  }
0x7f: {  	_ =	swait.ge @!p0 [sflag:s6], $0x320  }
0x80: {  	s3 =	simm.s32 @!p0 $0x0;
	[sflag:s6] =	ssyncset.done @!p0 $0x0  }
0x81: {  	s9 =	simm.s32 @!p0 $0x640;
	[sflag:s6] =	ssyncadd.s32 @!p0 $0xFFFFFCE0;
	s6 =	simm.s32 @!p0 $0x68  }
0x82: {  	[tilespmem:s9], [sflag:$0x1] =	stream.indirect.gather @!p0 [hbm4b:s4+s6], $0x20, s3, s6, $0xb8;
	[tilespmem:$0x10E40] =	vst v63  }
0x83: {  	s31 =	simm.s32 @!p0 $0x1340;
	s9 =	simm.s32 @!p0 $0x60  }
0x84: {  	[tilespmem:s31], [sflag:$0x1] =	stream.indirect.gather @!p0 [hbm4b:s4+s9], $0x20, s6, s9, $0xb8;
	[tilespmem:$0x10E40] =	vst v63  }
0x85: {  	s0 =	simm.s32 @!p0 $0x1F40;
	s31 =	simm.s32 @!p0 $0xC8  }
0x86: {  	[tilespmem:s0], [sflag:$0x1] =	stream.indirect.gather @!p0 [hbm4b:s4+s6], $0x20, s31, s6, $0xb8;
	[tilespmem:$0x10E40] =	vst v63  }
0x87: {  	s0 =	simm.s32 @!p0 $0x130;
	s31 =	simm.s32 @!p0 $0x2C40  }
0x88: {  	[tilespmem:s31], [sflag:$0x1] =	stream.indirect.gather @!p0 [hbm4b:s4+s9], $0x20, s0, s9, $0xb8;
	[tilespmem:$0x10E40] =	vst v63  }
0x89: {  	s0 =	simm.s32 @!p0 $0x190;
	s31 =	simm.s32 @!p0 $0x3840  }
0x8a: {  	[tilespmem:s31], [sflag:$0x1] =	stream.indirect.gather @!p0 [hbm4b:s4+s6], $0x20, s0, s6, $0xb8;
	[tilespmem:$0x10E40] =	vst v63  }
0x8b: {  	s0 =	simm.s32 @!p0 $0x1F8;
	s31 =	simm.s32 @!p0 $0x4540  }
0x8c: {  	[tilespmem:s31], [sflag:$0x1] =	stream.indirect.gather @!p0 [hbm4b:s4+s9], $0x20, s0, s9, $0xb8;
	[tilespmem:$0x10E40] =	vst v63  }
0x8d: {  	s0 =	simm.s32 @!p0 $0x258;
	s31 =	simm.s32 @!p0 $0x5140  }
0x8e: {  	[tilespmem:s31], [sflag:$0x1] =	stream.indirect.gather @!p0 [hbm4b:s4+s6], $0x20, s0, s6, $0xb8;
	[tilespmem:$0x10E40] =	vst v63  }
0x8f: {  	s0 =	simm.s32 @!p0 $0x2C0;
	s6 =	simm.s32 @!p0 $0x5E40  }
0x90: {  	[tilespmem:s6], [sflag:$0x1] =	stream.indirect.gather @!p0 [hbm4b:s4+s9], $0x20, s0, s9, $0xb8;
	[tilespmem:$0x10E40] =	vst v63  }
0x91: {  	_ =	swait.ge [sflag:s28], $0xD00  }
0x92: {  	[sflag:s28] =	ssyncset.done $0x0  }
0x93: {  	[sflag:s28] =	ssyncadd.s32 $0xFFFFF300  }
0x94: {  	_ =	swait.ge [sflag:s28], $0xC00  }
0x95: {  	[sflag:s28] =	ssyncset.done $0x0  }
0x96: {  	[sflag:s28] =	ssyncadd.s32 $0xFFFFF400  }
0x97: {  	_ =	swait.ge [sflag:s28], $0xD00  }
0x98: {  	[sflag:s28] =	ssyncset.done $0x0  }
0x99: {  	[sflag:s28] =	ssyncadd.s32 $0xFFFFF300  }
0x9a: {  	_ =	swait.ge [sflag:s28], $0xC00  }
0x9b: {  	[sflag:s28] =	ssyncset.done $0x0  }
0x9c: {  	[sflag:s28] =	ssyncadd.s32 $0xFFFFF400  }
0x9d: {  	_ =	swait.ge [sflag:s28], $0xD00  }
0x9e: {  	[sflag:s28] =	ssyncset.done $0x0  }
0x9f: {  	[sflag:s28] =	ssyncadd.s32 $0xFFFFF300  }
0xa0: {  	_ =	swait.ge [sflag:s28], $0xC00  }
0xa1: {  	[sflag:s28] =	ssyncset.done $0x0  }
0xa2: {  	[sflag:s28] =	ssyncadd.s32 $0xFFFFF400  }
0xa3: {  	_ =	swait.ge [sflag:s28], $0xD00  }
0xa4: {  	[sflag:s28] =	ssyncset.done $0x0  }
0xa5: {  	s0 =	sadd.s32 @!p0 s11, s8;
	[sflag:s28] =	ssyncadd.s32 $0xFFFFF300  }
0xa6: {  	s0 =	smul.u32 @!p0 $0x19, s0;
	_ =	swait.ge [sflag:s28], $0xC00  }
0xa7: {  	s31 =	simm.s32 $0x6A40;
	[sflag:s28] =	ssyncset.done $0x0  }
0xa8: {  	s6 =	simm.s32 @!p0 $0x320;
	s0 =	sadd.s32 @!p0 s2, s0;
	[sflag:s28] =	ssyncadd.s32 $0xFFFFF400  }
0xa9: {  	[tilespmem:s6], [sflag:$0x4] =	stream.linear.gather @!p0 [hbm4b:s0+s3], $0x320, $0x38;
	[tilespmem:$0x10E40] =	vst v63  }
0xaa: {  	v5 =	vld [tilespmem:s31+$0x20]  }
0xab: {  	v6 =	vld [tilespmem:s31+$0x30]  }
0xac: {  	v2 =	vld [tilespmem:s31+$0x1920]  }
0xad: {  	v3 =	vld [tilespmem:s31+$0x1930]  }
0xae: {  	v0 =	vld [tilespmem:s31+$0x3220]  }
0xaf: {  	v7 =	vld [tilespmem:s31+$0x0]  }
0xb0: {  	v8 =	vld [tilespmem:s31+$0x10]  }
0xb1: {  	v9 =	vld [tilespmem:s31+$0x1900]  }
0xb2: {  	v10 =	vld [tilespmem:s31+$0x1910]  }
0xb3: {  	v1 =	vld [tilespmem:s31+$0x3230]  }
0xb4: {  	v12 =	vld [tilespmem:s31+$0x3200]  }
0xb5: {  	v4 =	vimm.f32 $0.0e+00;
	v13 =	vld [tilespmem:s31+$0x3210]  }
0xb6: {  	v11 =	vld [tilespmem:s31+$0x4B00];
	v7 =	vadd.f32 v7, v4  }
0xb7: {  	v14 =	vld [tilespmem:s31+$0x4B10];
	v15 =	vadd.f32 v8, v4;
	v17 =	vadd.f32 v9, v4  }
0xb8: {  	v16 =	vadd.f32 v10, v4;
	v10 =	vld [tilespmem:s31+$0x4B20];
	v9 =	vimm.f32 $0.0e+00;
	v8 =	vadd.f32 v5, v7  }
0xb9: {  	s11 =	simm.s32 $0x0;
	s6 =	simm.s32 $0x6A80;
	v6 =	vadd.f32 v6, v15;
	v15 =	vld [tilespmem:s31+$0x4B30];
	v7 =	vimm.f32 $0.0e+00;
	v5 =	vimm.f32 $0.0e+00  }
.LBB2_5:
0xba: {  	v18 =	vld [tilespmem:s6+$0x20];
	v17 =	vadd.f32 v2, v17;
	v16 =	vadd.f32 v3, v16  }
0xbb: {  	v4 =	vadd.f32 v12, v4;
	v9 =	vadd.f32 v13, v9;
	v19 =	vld [tilespmem:s6+$0x30]  }
0xbc: {  	v7 =	vadd.f32 v11, v7;
	v2 =	vld [tilespmem:s6+$0x1920];
	v5 =	vadd.f32 v14, v5  }
0xbd: {  	v4 =	vadd.f32 v0, v4;
	v9 =	vadd.f32 v1, v9;
	v3 =	vld [tilespmem:s6+$0x1930]  }
0xbe: {  	v7 =	vadd.f32 v10, v7;
	v0 =	vld [tilespmem:s6+$0x3220];
	v5 =	vadd.f32 v15, v5  }
0xbf: {  	v1 =	vld [tilespmem:s6+$0x3230]  }
0xc0: {  	v10 =	vld [tilespmem:s6+$0x0]  }
0xc1: {  	v14 =	vld [tilespmem:s6+$0x10]  }
0xc2: {  	v15 =	vld [tilespmem:s6+$0x1900]  }
0xc3: {  	s11 =	sadd.s32 $0x2, s11;
	v20 =	vld [tilespmem:s6+$0x1910]  }
0xc4: {  	p0 =	slt.u32 s11, $0xC6;
	v12 =	vld [tilespmem:s6+$0x3200]  }
.Ltmp1:
0xc5: {  	v13 =	vld [tilespmem:s6+$0x3210];
	(pc) =	sbr.rel @p0 .LBB2_5-.Ltmp1, $4  }
0xc6: {  	v11 =	vld [tilespmem:s6+$0x4B00]  }
0xc7: {  	v8 =	vadd.f32 v10, v8;
	v6 =	vadd.f32 v14, v6;
	v14 =	vld [tilespmem:s6+$0x4B10]  }
0xc8: {  	v17 =	vadd.f32 v15, v17;
	v16 =	vadd.f32 v20, v16;
	v10 =	vld [tilespmem:s6+$0x4B20]  }
0xc9: {  	v8 =	vadd.f32 v18, v8;
	v6 =	vadd.f32 v19, v6;
	v15 =	vld [tilespmem:s6+$0x4B30];
	s6 =	sadd.s32 $0x40, s6  }
0xca: {  	_ = 	snop  }
0xcb: {  	v2 =	vadd.f32 v2, v17;
	v4 =	vadd.f32 v12, v4;
	v8 =	vmul.f32 $4.999999890e-03, v8  }
0xcc: {  	v3 =	vadd.f32 v3, v16;
	v9 =	vadd.f32 v13, v9;
	v6 =	vmul.f32 $4.999999890e-03, v6  }
0xcd: {  	v7 =	vadd.f32 v11, v7;
	v0 =	vadd.f32 v0, v4;
	v2 =	vmul.f32 $4.999999890e-03, v2;
	[tilespmem:s5+$0xCEC0] =	vst v8  }
0xce: {  	s10 =	sadd.s32 $0x1, s10;
	v59 =	vadd.f32 v14, v5;
	v1 =	vadd.f32 v1, v9;
	v3 =	vmul.f32 $4.999999890e-03, v3;
	[tilespmem:s5+$0xCED0] =	vst v6  }
0xcf: {  	p0 =	sne.s32 s10, $0x40;
	v60 =	vadd.f32 v10, v7;
	[tilespmem:s5+$0xCEE0] =	vst v2;
	v0 =	vmul.f32 $4.999999890e-03, v0  }
.Ltmp2:
0xd0: {  	v61 =	vadd.f32 v15, v59;
	[tilespmem:s5+$0xCEF0] =	vst v3;
	v1 =	vmul.f32 $4.999999890e-03, v1;
	(pc) =	sbr.rel @p0 .LBB2_2-.Ltmp2, $4  }
0xd1: {  	v62 =	vmul.f32 $4.999999890e-03, v60;
	[tilespmem:s5+$0xCF00] =	vst v0  }
0xd2: {  	[tilespmem:s5+$0xCF10] =	vst v1;
	v63 =	vmul.f32 $4.999999890e-03, v61  }
0xd3: {  	[tilespmem:s5+$0xCF20] =	vst v62  }
0xd4: {  	[tilespmem:s5+$0xCF30] =	vst v63  }
0xd5: {  	s9 =	simm.s32 $0x0  }
0xd6: {  	s0 =	rddreg [dreg:$0x5];
	s3 =	simm.s32 $0xCE40;
	s11 =	simm.s32 $0x5  }
0xd7: {  	[hbm4b:s0+s9] =	stream.linear.scatter [tilespmem:s3], [sflag:$0x5], $0x4000, $0x38;
	[tilespmem:$0x10E40] =	vst v63  }
0xd8: {  	_ =	swait.ge [sflag:s11], $0x4000  }
0xd9: {  	s5 =	rddreg [dreg:$0x7]  }
0xda: {  	s31 =	rddreg [dreg:$0x6];
	s5 =	sadd.s32 $0x1, s5  }
0xdb: {  	p0 =	sne.s32 s5, s31  }
.Ltmp3:
0xdc: {  	_ = 	snop;
	(pc) =	sbr.rel @p0 .LBB2_1-.Ltmp3, $3  }
0xdd: {  	_ =	sdelay $0x1  }
0xde: {  	[sflag:s11] =	ssyncset.done $0x0  }
0xdf: {  	[sflag:s11] =	ssyncadd.s32 $0xFFFFC000  }
0xe0: {  	_ =	sfence.sel $0x180000  }
0xe1: {  	[bflag:$0x0] =	sbarrier.arrive $0xFFFF  }
0xe2: {  	_ =	strace $0x90000047  }
0xe3: {  	s0 =	stileid.u32;
	[bflag:$0x2] =	sbarrier.arrive $0xFFFF  }
0xe4: {  	p0 =	sne.s32 s0, $0x0;
	s0 =	rddreg [dreg:$0x2]  }
0xe5: {  	s0 =	sadd.s32 @!p0 $0x100000, s0  }
0xe6: {  	[sflag:s0] =	ssyncadd.tile.s32 @!p0 $0x1;
	_ =	shalt  }
.Lfunc_end2:
_tile_overlayer_lowered:
.L_overlay_start_2:
0xe7: {  	(tag) =	ssettag $0x2  }
0xe8: {  	s0 =	rddreg [dreg:$0x0];
	s2 =	stileid.u32  }
0xe9: {  	s1 =	rddreg [dreg:$0x1];
	p0 =	sne.s32 s2, $0x0  }
0xea: {  	s3 =	rddreg [dreg:$0x2];
	[bflag:$0x3] =	sbarrier.arrive $0xFFFF;
	s2 =	simm.s32 @!p0 $0x1C05  }
0xeb: {  	[timem:s3], [sflag:s2] =	dma.local @!p0 [hbm:s0], s1  }
0xec: {  	s0 =	simm.s32 @!p0 $0x5  }
0xed: {  	_ =	swait.ge @!p0 [sflag:s0], s1  }
0xee: {  	s1 =	ssub.s32 @!p0 $0x0, s1;
	[sflag:s0] =	ssyncset.done @!p0 $0x0  }
0xef: {  	[sflag:s0] =	ssyncadd.s32 @!p0 s1  }
0xf0: {  	[bflag:$0x3] =	sbarrier.arrive $0xFFFF  }
0xf1: {  	_ =	shalt  }

</sc_bundles>
